<compile_context>
chip_gen: v7x
topology: tpu7x:2x2x1
jax: 0.10.2.dev20260603
libtpu: 0.0.44.dev20260713+nightly
codegen_flags: <defaults>
</compile_context>

<pallas_src>
import functools
import math

import jax
import jax.numpy as jnp
from jax import lax
from jax.experimental import pallas as pl
from jax.experimental.pallas import tpu as pltpu
from jax.experimental.pallas import tpu_sc as plsc

DIM = 64
SCALE = math.sqrt(DIM)
NC = 2
NS = 16
NW = NC * NS
PADW = 133


def _build(A, Bdim):
    AT = A // 128
    BT = Bdim // 8
    assert AT == NW and Bdim % 8 == 0

    mesh = plsc.VectorSubcoreMesh(core_axis_name="c", subcore_axis_name="s")

    @functools.partial(
        pl.kernel,
        mesh=mesh,
        out_type=jax.ShapeDtypeStruct((Bdim, DIM // 8, AT, 8, 128),
                                      jnp.float32),
        scratch_types=[
            pltpu.VMEM((BT, 1024), jnp.int32),
            pltpu.VMEM((128, DIM), jnp.float32),
            pltpu.VMEM((128, DIM), jnp.float32),
            pltpu.VMEM((DIM // 8, 8, PADW), jnp.float32),
            pltpu.VMEM((DIM // 8, 8, PADW), jnp.float32),
            pltpu.SemaphoreType.DMA,
            pltpu.SemaphoreType.DMA,
            pltpu.SemaphoreType.DMA,
            pltpu.SemaphoreType.DMA,
        ],
        compiler_params=pltpu.CompilerParams(
            use_tc_tiling_on_sc=False, needs_layout_passes=False),
    )
    def k(tok_hbm, table_hbm, out_hbm, tok_v, rows0, rows1, ov0, ov1,
          g0, g1, o0, o1):
        at = lax.axis_index("s") * NC + lax.axis_index("c")
        pltpu.sync_copy(tok_hbm.at[:, at], tok_v)

        iota = lax.iota(jnp.int32, 16)
        js_idx = jnp.bitwise_and(iota, 7)
        jt_idx = [jnp.right_shift(iota, 3) + 2 * c for c in range(DIM // 16)]

        def fire_gather(b, rows_v, sem):
            idx_row = tok_v.at[b >> 3, pl.ds((b & 7) * 128, 128)]
            pltpu.async_copy(table_hbm.at[idx_row], rows_v, sem)

        def drain_gather(rows_v, sem):
            pltpu.make_async_copy(
                table_hbm.at[pl.ds(0, 128)], rows_v, sem).wait()

        def transpose_scale(rows_v, out_v):
            @plsc.parallel_loop(0, 128, unroll=8)
            def _(a):
                av = jnp.broadcast_to(a, (16,))
                for c in range(DIM // 16):
                    x = rows_v[a, pl.ds(c * 16, 16)] * SCALE
                    plsc.store_scatter(out_v, [jt_idx[c], js_idx, av], x)

        def fire_out(b, out_v, sem):
            pltpu.async_copy(
                out_v.at[:, :, pl.ds(0, 128)], out_hbm.at[b, :, at], sem)

        def drain_out(out_v, sem):
            pltpu.make_async_copy(
                out_v.at[:, :, pl.ds(0, 128)], out_hbm.at[0, :, 0],
                sem).wait()

        bufs = ((rows0, ov0, g0, o0), (rows1, ov1, g1, o1))

        def chunk_step(c, par):
            rows_b, ov_b, g_b, o_b = bufs[par]
            rows_n, _, g_n, _ = bufs[1 - par]
            drain_gather(rows_b, g_b)

            @pl.when(c + 1 < Bdim)
            def _():
                fire_gather(c + 1, rows_n, g_n)

            @pl.when(c >= 2)
            def _():
                drain_out(ov_b, o_b)

            transpose_scale(rows_b, ov_b)
            fire_out(c, ov_b, o_b)

        fire_gather(jnp.int32(0), rows0, g0)

        def pair(j, carry):
            chunk_step(2 * j, 0)
            chunk_step(2 * j + 1, 1)
            return carry

        lax.fori_loop(0, Bdim // 2, pair, 0)

        drain_out(ov0, o0)
        drain_out(ov1, o1)

    return k


def kernel(tokens, embedding_weight):
    A, Bdim = tokens.shape
    tok4 = (tokens.astype(jnp.int32).T
            .reshape(Bdim // 8, 8, A // 128, 128)
            .transpose(0, 2, 1, 3)
            .reshape(Bdim // 8, A // 128, 1024))
    out = _build(A, Bdim)(tok4, embedding_weight)
    return (out.transpose(2, 4, 0, 1, 3)
            .reshape(A, Bdim, DIM))

# --- scband reference (transcript-rebuilt; emitter-appended) ---
"""Pipeline reference for scband-token-embedding-14456859918338 (READ-ONLY COPY).

The authoritative reference and input builder live on the scoring server;
editing this copy changes nothing except your own understanding.
"""

import math
import jax, jax.numpy as jnp
import numpy as np

NUM_TOKENS = 1000000
DIM_MODEL = 64


def setup_inputs(seed: int = 0) -> dict:
    key = jax.random.key(seed)
    k_tok, k_emb = jax.random.split(key)
    tokens = jax.random.randint(k_tok, (4096, 200), 0, NUM_TOKENS, dtype=jnp.int64 if jax.config.jax_enable_x64 else jnp.int32)
    embedding_weight = jax.random.normal(k_emb, (NUM_TOKENS, DIM_MODEL), dtype=jnp.float32)
    return {"tokens": tokens, "embedding_weight": embedding_weight}


def reference(tokens, embedding_weight):
    # nn.Embedding lookup: gather rows of the table, then scale by sqrt(dim_model)
    emb = jnp.take(embedding_weight, tokens, axis=0)
    return emb * math.sqrt(DIM_MODEL)

if __name__ == "__main__":
    import jax
    _d = setup_inputs()
    print(jax.jit(kernel)(*tuple(_d.values())))

</pallas_src>

<mosaic_0001>
#map = affine_map<(d0, d1) -> (0, 0, 0)>
#map1 = affine_map<(d0, d1) -> (0, 0)>
#map2 = affine_map<(d0, d1) -> (0, 0, 0, 0, 0)>
module attributes {stable_mosaic.version = 14 : i64} {
  func.func @k(%arg0: i32, %arg1: i32, %arg2: memref<25x32x1024xi32, #tpu.memory_space<hbm>>, %arg3: memref<1000000x64xf32, #tpu.memory_space<hbm>>, %arg4: memref<200x8x32x8x128xf32, #tpu.memory_space<hbm>>, %arg5: memref<25x1024xi32, #tpu.memory_space<vmem>>, %arg6: memref<128x64xf32, #tpu.memory_space<vmem>>, %arg7: memref<128x64xf32, #tpu.memory_space<vmem>>, %arg8: memref<8x8x133xf32, #tpu.memory_space<vmem>>, %arg9: memref<8x8x133xf32, #tpu.memory_space<vmem>>, %arg10: memref<!tpu.dma_semaphore, #tpu.memory_space<semaphore_mem>>, %arg11: memref<!tpu.dma_semaphore, #tpu.memory_space<semaphore_mem>>, %arg12: memref<!tpu.dma_semaphore, #tpu.memory_space<semaphore_mem>>, %arg13: memref<!tpu.dma_semaphore, #tpu.memory_space<semaphore_mem>>) attributes {dimension_semantics = [#tpu.dimension_semantics<core_parallel>, #tpu.dimension_semantics<subcore_parallel>], iteration_bounds = array<i64: 2, 16>, scalar_prefetch = 0 : i64, scratch_operands = 9 : i64, tpu.core_type = #tpu.core_type<sc_vector_subcore>, window_params = [{transform_indices = #map}, {transform_indices = #map1}, {transform_indices = #map2}]} {
    %mul3A = arith.constant 2 : i32
    %mul3A_0 = arith.muli %arg1, %mul3A : i32
    %add3A = arith.addi %mul3A_0, %arg0 : i32
    "tpu.region"() ({
      %run_scoped3A = tpu.sem_alloc : memref<!tpu.dma_semaphore, #tpu.memory_space<semaphore_mem>>
      %dma_start3A_82 = arith.constant 0 : i32
      %dma_start3A_83 = arith.constant 0 : i32
      %dma_start3A_84 = tpu.memref_slice %arg2[%dma_start3A_82, %add3A, %dma_start3A_83] : memref<25x32x1024xi32, #tpu.memory_space<hbm>> -> memref<25x1x1024xi32, #tpu.memory_space<hbm>>
      %dma_start3A_85 = tpu.memref_squeeze %dma_start3A_84 : memref<25x1x1024xi32, #tpu.memory_space<hbm>> -> memref<25x1024xi32, #tpu.memory_space<hbm>>
      %dma_start3A_86 = arith.constant 0 : i32
      %dma_start3A_87 = arith.constant 0 : i32
      %dma_start3A_88 = tpu.memref_slice %arg2[%dma_start3A_86, %add3A, %dma_start3A_87] : memref<25x32x1024xi32, #tpu.memory_space<hbm>> -> memref<25x1x1024xi32, #tpu.memory_space<hbm>>
      %dma_start3A_89 = tpu.memref_squeeze %dma_start3A_88 : memref<25x1x1024xi32, #tpu.memory_space<hbm>> -> memref<25x1024xi32, #tpu.memory_space<hbm>>
      tpu.enqueue_dma source(%dma_start3A_89 : memref<25x1024xi32, #tpu.memory_space<hbm>>) target(%arg5 : memref<25x1024xi32, #tpu.memory_space<vmem>>) target_semaphore(%run_scoped3A : memref<!tpu.dma_semaphore, #tpu.memory_space<semaphore_mem>>)
      %dma_wait3A_90 = arith.constant 0 : i32
      %dma_wait3A_91 = arith.constant 0 : i32
      %dma_wait3A_92 = tpu.memref_slice %arg2[%dma_wait3A_90, %add3A, %dma_wait3A_91] : memref<25x32x1024xi32, #tpu.memory_space<hbm>> -> memref<25x1x1024xi32, #tpu.memory_space<hbm>>
      %dma_wait3A_93 = tpu.memref_squeeze %dma_wait3A_92 : memref<25x1x1024xi32, #tpu.memory_space<hbm>> -> memref<25x1024xi32, #tpu.memory_space<hbm>>
      %dma_wait3A_94 = arith.constant 0 : i32
      %dma_wait3A_95 = arith.constant 0 : i32
      %dma_wait3A_96 = tpu.memref_slice %arg2[%dma_wait3A_94, %add3A, %dma_wait3A_95] : memref<25x32x1024xi32, #tpu.memory_space<hbm>> -> memref<25x1x1024xi32, #tpu.memory_space<hbm>>
      %dma_wait3A_97 = tpu.memref_squeeze %dma_wait3A_96 : memref<25x1x1024xi32, #tpu.memory_space<hbm>> -> memref<25x1024xi32, #tpu.memory_space<hbm>>
      tpu.wait_dma2 semaphore(%run_scoped3A : memref<!tpu.dma_semaphore, #tpu.memory_space<semaphore_mem>>) src(%dma_wait3A_97 : memref<25x1024xi32, #tpu.memory_space<hbm>>) dst(%arg5 : memref<25x1024xi32, #tpu.memory_space<vmem>>)
      tpu.yield
    }) : () -> ()
    %iota3A = tpu.iota {dimensions = array<i32: 0>} : vector<16xi32>
    %and3A = arith.constant 7 : i32
    %and3A_1 = vector.broadcast %and3A : i32 to vector<16xi32>
    %and3A_2 = arith.andi %iota3A, %and3A_1 : vector<16xi32>
    %shift_right_arithmetic3A = arith.constant 3 : i32
    %shift_right_arithmetic3A_3 = vector.broadcast %shift_right_arithmetic3A : i32 to vector<16xi32>
    %shift_right_arithmetic3A_4 = arith.shrsi %iota3A, %shift_right_arithmetic3A_3 : vector<16xi32>
    %add3A_5 = arith.constant 0 : i32
    %add3A_6 = vector.broadcast %add3A_5 : i32 to vector<16xi32>
    %add3A_7 = arith.addi %shift_right_arithmetic3A_4, %add3A_6 : vector<16xi32>
    %shift_right_arithmetic3A_8 = arith.constant 3 : i32
    %shift_right_arithmetic3A_9 = vector.broadcast %shift_right_arithmetic3A_8 : i32 to vector<16xi32>
    %shift_right_arithmetic3A_10 = arith.shrsi %iota3A, %shift_right_arithmetic3A_9 : vector<16xi32>
    %add3A_11 = arith.constant 2 : i32
    %add3A_12 = vector.broadcast %add3A_11 : i32 to vector<16xi32>
    %add3A_13 = arith.addi %shift_right_arithmetic3A_10, %add3A_12 : vector<16xi32>
    %shift_right_arithmetic3A_14 = arith.constant 3 : i32
    %shift_right_arithmetic3A_15 = vector.broadcast %shift_right_arithmetic3A_14 : i32 to vector<16xi32>
    %shift_right_arithmetic3A_16 = arith.shrsi %iota3A, %shift_right_arithmetic3A_15 : vector<16xi32>
    %add3A_17 = arith.constant 4 : i32
    %add3A_18 = vector.broadcast %add3A_17 : i32 to vector<16xi32>
    %add3A_19 = arith.addi %shift_right_arithmetic3A_16, %add3A_18 : vector<16xi32>
    %shift_right_arithmetic3A_20 = arith.constant 3 : i32
    %shift_right_arithmetic3A_21 = vector.broadcast %shift_right_arithmetic3A_20 : i32 to vector<16xi32>
    %shift_right_arithmetic3A_22 = arith.shrsi %iota3A, %shift_right_arithmetic3A_21 : vector<16xi32>
    %add3A_23 = arith.constant 6 : i32
    %add3A_24 = vector.broadcast %add3A_23 : i32 to vector<16xi32>
    %add3A_25 = arith.addi %shift_right_arithmetic3A_22, %add3A_24 : vector<16xi32>
    %shift_right_arithmetic3A_26 = arith.constant 0 : i32
    %shift_right_arithmetic3A_27 = arith.constant 3 : i32
    %shift_right_arithmetic3A_28 = arith.shrsi %shift_right_arithmetic3A_26, %shift_right_arithmetic3A_27 : i32
    %and3A_29 = arith.constant 0 : i32
    %and3A_30 = arith.constant 7 : i32
    %and3A_31 = arith.andi %and3A_29, %and3A_30 : i32
    %mul3A_32 = arith.constant 128 : i32
    %mul3A_33 = arith.muli %and3A_31, %mul3A_32 : i32
    %dma_start3A = tpu.memref_slice %arg5[%shift_right_arithmetic3A_28, %mul3A_33] : memref<25x1024xi32, #tpu.memory_space<vmem>> -> memref<1x128xi32, #tpu.memory_space<vmem>>
    %dma_start3A_34 = tpu.memref_squeeze %dma_start3A : memref<1x128xi32, #tpu.memory_space<vmem>> -> memref<128xi32, #tpu.memory_space<vmem>>
    %dma_start3A_35 = arith.constant 0 : i32
    %dma_start3A_36 = arith.constant 0 : i32
    %dma_start3A_37 = tpu.memref_slice %arg3[%dma_start3A_35, %dma_start3A_36] : memref<1000000x64xf32, #tpu.memory_space<hbm>> -> memref<1000000x64xf32, #tpu.memory_space<hbm>>
    tpu.enqueue_indirect_dma source(%dma_start3A_37 : memref<1000000x64xf32, #tpu.memory_space<hbm>>) target(%arg6 : memref<128x64xf32, #tpu.memory_space<vmem>>) offsets(%dma_start3A_34 : memref<128xi32, #tpu.memory_space<vmem>>) semaphore(%arg10 : memref<!tpu.dma_semaphore, #tpu.memory_space<semaphore_mem>>)
    %scan3A = arith.constant 0 : i32
    %scan3A_38 = arith.constant 0 : i32
    %scan3A_39 = arith.constant 100 : i32
    %scan3A_40 = arith.addi %scan3A_38, %scan3A_39 : i32
    %scan3A_41 = arith.constant 1 : i32
    scf.for %scan3A_82 = %scan3A_38 to %scan3A_40 step %scan3A_41  : i32 {
      %mul3A_83 = arith.constant 2 : i32
      %mul3A_84 = arith.muli %mul3A_83, %scan3A_82 : i32
      %dma_wait3A_85 = arith.constant 0 : i32
      %dma_wait3A_86 = arith.constant 0 : i32
      %dma_wait3A_87 = tpu.memref_slice %arg3[%dma_wait3A_85, %dma_wait3A_86] : memref<1000000x64xf32, #tpu.memory_space<hbm>> -> memref<128x64xf32, #tpu.memory_space<hbm>>
      %dma_wait3A_88 = arith.constant 0 : i32
      %dma_wait3A_89 = arith.constant 0 : i32
      %dma_wait3A_90 = tpu.memref_slice %arg3[%dma_wait3A_88, %dma_wait3A_89] : memref<1000000x64xf32, #tpu.memory_space<hbm>> -> memref<128x64xf32, #tpu.memory_space<hbm>>
      tpu.wait_dma2 semaphore(%arg10 : memref<!tpu.dma_semaphore, #tpu.memory_space<semaphore_mem>>) src(%dma_wait3A_90 : memref<128x64xf32, #tpu.memory_space<hbm>>) dst(%arg6 : memref<128x64xf32, #tpu.memory_space<vmem>>)
      %add3A_91 = arith.constant 1 : i32
      %add3A_92 = arith.addi %mul3A_84, %add3A_91 : i32
      %lt3A = arith.constant 200 : i32
      %lt3A_93 = arith.cmpi slt, %add3A_92, %lt3A : i32
      %convert_element_type3A = arith.extui %lt3A_93 : i1 to i32
      %cond3A = arith.constant 0 : i32
      %cond3A_94 = arith.cmpi ne, %convert_element_type3A, %cond3A : i32
      scf.if %cond3A_94 {
        %add3A_162 = arith.constant 1 : i32
        %add3A_163 = arith.addi %mul3A_84, %add3A_162 : i32
        %shift_right_arithmetic3A_164 = arith.constant 3 : i32
        %shift_right_arithmetic3A_165 = arith.shrsi %add3A_163, %shift_right_arithmetic3A_164 : i32
        %and3A_166 = arith.constant 7 : i32
        %and3A_167 = arith.andi %add3A_163, %and3A_166 : i32
        %mul3A_168 = arith.constant 128 : i32
        %mul3A_169 = arith.muli %and3A_167, %mul3A_168 : i32
        %dma_start3A_170 = tpu.memref_slice %arg5[%shift_right_arithmetic3A_165, %mul3A_169] : memref<25x1024xi32, #tpu.memory_space<vmem>> -> memref<1x128xi32, #tpu.memory_space<vmem>>
        %dma_start3A_171 = tpu.memref_squeeze %dma_start3A_170 : memref<1x128xi32, #tpu.memory_space<vmem>> -> memref<128xi32, #tpu.memory_space<vmem>>
        %dma_start3A_172 = arith.constant 0 : i32
        %dma_start3A_173 = arith.constant 0 : i32
        %dma_start3A_174 = tpu.memref_slice %arg3[%dma_start3A_172, %dma_start3A_173] : memref<1000000x64xf32, #tpu.memory_space<hbm>> -> memref<1000000x64xf32, #tpu.memory_space<hbm>>
        tpu.enqueue_indirect_dma source(%dma_start3A_174 : memref<1000000x64xf32, #tpu.memory_space<hbm>>) target(%arg7 : memref<128x64xf32, #tpu.memory_space<vmem>>) offsets(%dma_start3A_171 : memref<128xi32, #tpu.memory_space<vmem>>) semaphore(%arg11 : memref<!tpu.dma_semaphore, #tpu.memory_space<semaphore_mem>>)
      } else {
      }
      %ge3A = arith.constant 2 : i32
      %ge3A_95 = arith.cmpi sge, %mul3A_84, %ge3A : i32
      %convert_element_type3A_96 = arith.extui %ge3A_95 : i1 to i32
      %cond3A_97 = arith.constant 0 : i32
      %cond3A_98 = arith.cmpi ne, %convert_element_type3A_96, %cond3A_97 : i32
      scf.if %cond3A_98 {
        %dma_wait3A_162 = arith.constant 0 : i32
        %dma_wait3A_163 = arith.constant 0 : i32
        %dma_wait3A_164 = arith.constant 0 : i32
        %dma_wait3A_165 = arith.constant 0 : i32
        %dma_wait3A_166 = arith.constant 0 : i32
        %dma_wait3A_167 = tpu.memref_slice %arg8[%dma_wait3A_164, %dma_wait3A_165, %dma_wait3A_166] : memref<8x8x133xf32, #tpu.memory_space<vmem>> -> memref<8x8x128xf32, #tpu.memory_space<vmem>>
        %dma_wait3A_168 = arith.constant 0 : i32
        %dma_wait3A_169 = arith.constant 0 : i32
        %dma_wait3A_170 = arith.constant 0 : i32
        %dma_wait3A_171 = tpu.memref_slice %arg4[%dma_wait3A_162, %dma_wait3A_168, %dma_wait3A_163, %dma_wait3A_169, %dma_wait3A_170] : memref<200x8x32x8x128xf32, #tpu.memory_space<hbm>> -> memref<1x8x1x8x128xf32, #tpu.memory_space<hbm>>
        %dma_wait3A_172 = tpu.memref_squeeze %dma_wait3A_171 : memref<1x8x1x8x128xf32, #tpu.memory_space<hbm>> -> memref<8x8x128xf32, #tpu.memory_space<hbm>>
        %dma_wait3A_173 = arith.constant 0 : i32
        %dma_wait3A_174 = arith.constant 0 : i32
        %dma_wait3A_175 = arith.constant 0 : i32
        %dma_wait3A_176 = tpu.memref_slice %arg4[%dma_wait3A_162, %dma_wait3A_173, %dma_wait3A_163, %dma_wait3A_174, %dma_wait3A_175] : memref<200x8x32x8x128xf32, #tpu.memory_space<hbm>> -> memref<1x8x1x8x128xf32, #tpu.memory_space<hbm>>
        %dma_wait3A_177 = tpu.memref_squeeze %dma_wait3A_176 : memref<1x8x1x8x128xf32, #tpu.memory_space<hbm>> -> memref<8x8x128xf32, #tpu.memory_space<hbm>>
        %dma_wait3A_178 = arith.constant 0 : i32
        %dma_wait3A_179 = arith.constant 0 : i32
        %dma_wait3A_180 = arith.constant 0 : i32
        %dma_wait3A_181 = tpu.memref_slice %arg8[%dma_wait3A_178, %dma_wait3A_179, %dma_wait3A_180] : memref<8x8x133xf32, #tpu.memory_space<vmem>> -> memref<8x8x128xf32, #tpu.memory_space<vmem>>
        tpu.wait_dma2 semaphore(%arg12 : memref<!tpu.dma_semaphore, #tpu.memory_space<semaphore_mem>>) src(%dma_wait3A_181 : memref<8x8x128xf32, #tpu.memory_space<vmem>>) dst(%dma_wait3A_177 : memref<8x8x128xf32, #tpu.memory_space<hbm>>)
      } else {
      }
      %parallel_loop3A = arith.constant 0 : i32
      %parallel_loop3A_99 = arith.constant 128 : i32
      %parallel_loop3A_100 = arith.constant 1 : i32
      scf.for %parallel_loop3A_162 = %parallel_loop3A to %parallel_loop3A_99 step %parallel_loop3A_100  : i32 {
        %parallel_loop3A_163 = vector.broadcast %parallel_loop3A_162 : i32 to vector<16xi32>
        %parallel_loop3A_164 = arith.index_cast %parallel_loop3A_162 : i32 to index
        %parallel_loop3A_165 = arith.constant 0 : index
        %parallel_loop3A_166 = tpu.vector_load %arg6[%parallel_loop3A_164, %parallel_loop3A_165] {strides = array<i32>} : memref<128x64xf32, #tpu.memory_space<vmem>>, vector<16xf32>,
        %parallel_loop3A_167 = arith.constant 8.000000e+00 : f32
        %parallel_loop3A_168 = vector.broadcast %parallel_loop3A_167 : f32 to vector<16xf32>
        %parallel_loop3A_169 = arith.mulf %parallel_loop3A_166, %parallel_loop3A_168 : vector<16xf32>
        tpu.vector_store_idx %arg8[%add3A_7, %and3A_2, %parallel_loop3A_163], %parallel_loop3A_169 : memref<8x8x133xf32, #tpu.memory_space<vmem>>[vector<16xi32>, vector<16xi32>, vector<16xi32>], vector<16xf32>,
        %parallel_loop3A_170 = arith.index_cast %parallel_loop3A_162 : i32 to index
        %parallel_loop3A_171 = arith.constant 16 : index
        %parallel_loop3A_172 = tpu.vector_load %arg6[%parallel_loop3A_170, %parallel_loop3A_171] {strides = array<i32>} : memref<128x64xf32, #tpu.memory_space<vmem>>, vector<16xf32>,
        %parallel_loop3A_173 = arith.constant 8.000000e+00 : f32
        %parallel_loop3A_174 = vector.broadcast %parallel_loop3A_173 : f32 to vector<16xf32>
        %parallel_loop3A_175 = arith.mulf %parallel_loop3A_172, %parallel_loop3A_174 : vector<16xf32>
        tpu.vector_store_idx %arg8[%add3A_13, %and3A_2, %parallel_loop3A_163], %parallel_loop3A_175 : memref<8x8x133xf32, #tpu.memory_space<vmem>>[vector<16xi32>, vector<16xi32>, vector<16xi32>], vector<16xf32>,
        %parallel_loop3A_176 = arith.index_cast %parallel_loop3A_162 : i32 to index
        %parallel_loop3A_177 = arith.constant 32 : index
        %parallel_loop3A_178 = tpu.vector_load %arg6[%parallel_loop3A_176, %parallel_loop3A_177] {strides = array<i32>} : memref<128x64xf32, #tpu.memory_space<vmem>>, vector<16xf32>,
        %parallel_loop3A_179 = arith.constant 8.000000e+00 : f32
        %parallel_loop3A_180 = vector.broadcast %parallel_loop3A_179 : f32 to vector<16xf32>
        %parallel_loop3A_181 = arith.mulf %parallel_loop3A_178, %parallel_loop3A_180 : vector<16xf32>
        tpu.vector_store_idx %arg8[%add3A_19, %and3A_2, %parallel_loop3A_163], %parallel_loop3A_181 : memref<8x8x133xf32, #tpu.memory_space<vmem>>[vector<16xi32>, vector<16xi32>, vector<16xi32>], vector<16xf32>,
        %parallel_loop3A_182 = arith.index_cast %parallel_loop3A_162 : i32 to index
        %parallel_loop3A_183 = arith.constant 48 : index
        %parallel_loop3A_184 = tpu.vector_load %arg6[%parallel_loop3A_182, %parallel_loop3A_183] {strides = array<i32>} : memref<128x64xf32, #tpu.memory_space<vmem>>, vector<16xf32>,
        %parallel_loop3A_185 = arith.constant 8.000000e+00 : f32
        %parallel_loop3A_186 = vector.broadcast %parallel_loop3A_185 : f32 to vector<16xf32>
        %parallel_loop3A_187 = arith.mulf %parallel_loop3A_184, %parallel_loop3A_186 : vector<16xf32>
        tpu.vector_store_idx %arg8[%add3A_25, %and3A_2, %parallel_loop3A_163], %parallel_loop3A_187 : memref<8x8x133xf32, #tpu.memory_space<vmem>>[vector<16xi32>, vector<16xi32>, vector<16xi32>], vector<16xf32>,
      } {sc.loop_unroll_factor = 8 : i64, sc.parallel_access}
      %dma_start3A_101 = arith.constant 0 : i32
      %dma_start3A_102 = arith.constant 0 : i32
      %dma_start3A_103 = arith.constant 0 : i32
      %dma_start3A_104 = tpu.memref_slice %arg8[%dma_start3A_101, %dma_start3A_102, %dma_start3A_103] : memref<8x8x133xf32, #tpu.memory_space<vmem>> -> memref<8x8x128xf32, #tpu.memory_space<vmem>>
      %dma_start3A_105 = arith.constant 0 : i32
      %dma_start3A_106 = arith.constant 0 : i32
      %dma_start3A_107 = arith.constant 0 : i32
      %dma_start3A_108 = tpu.memref_slice %arg4[%mul3A_84, %dma_start3A_105, %add3A, %dma_start3A_106, %dma_start3A_107] : memref<200x8x32x8x128xf32, #tpu.memory_space<hbm>> -> memref<1x8x1x8x128xf32, #tpu.memory_space<hbm>>
      %dma_start3A_109 = tpu.memref_squeeze %dma_start3A_108 : memref<1x8x1x8x128xf32, #tpu.memory_space<hbm>> -> memref<8x8x128xf32, #tpu.memory_space<hbm>>
      %dma_start3A_110 = arith.constant 0 : i32
      %dma_start3A_111 = arith.constant 0 : i32
      %dma_start3A_112 = arith.constant 0 : i32
      %dma_start3A_113 = tpu.memref_slice %arg4[%mul3A_84, %dma_start3A_110, %add3A, %dma_start3A_111, %dma_start3A_112] : memref<200x8x32x8x128xf32, #tpu.memory_space<hbm>> -> memref<1x8x1x8x128xf32, #tpu.memory_space<hbm>>
      %dma_start3A_114 = tpu.memref_squeeze %dma_start3A_113 : memref<1x8x1x8x128xf32, #tpu.memory_space<hbm>> -> memref<8x8x128xf32, #tpu.memory_space<hbm>>
      %dma_start3A_115 = arith.constant 0 : i32
      %dma_start3A_116 = arith.constant 0 : i32
      %dma_start3A_117 = arith.constant 0 : i32
      %dma_start3A_118 = tpu.memref_slice %arg8[%dma_start3A_115, %dma_start3A_116, %dma_start3A_117] : memref<8x8x133xf32, #tpu.memory_space<vmem>> -> memref<8x8x128xf32, #tpu.memory_space<vmem>>
      tpu.enqueue_dma source(%dma_start3A_118 : memref<8x8x128xf32, #tpu.memory_space<vmem>>) target(%dma_start3A_114 : memref<8x8x128xf32, #tpu.memory_space<hbm>>) target_semaphore(%arg12 : memref<!tpu.dma_semaphore, #tpu.memory_space<semaphore_mem>>)
      %mul3A_119 = arith.constant 2 : i32
      %mul3A_120 = arith.muli %mul3A_119, %scan3A_82 : i32
      %add3A_121 = arith.constant 1 : i32
      %add3A_122 = arith.addi %mul3A_120, %add3A_121 : i32
      %dma_wait3A_123 = arith.constant 0 : i32
      %dma_wait3A_124 = arith.constant 0 : i32
      %dma_wait3A_125 = tpu.memref_slice %arg3[%dma_wait3A_123, %dma_wait3A_124] : memref<1000000x64xf32, #tpu.memory_space<hbm>> -> memref<128x64xf32, #tpu.memory_space<hbm>>
      %dma_wait3A_126 = arith.constant 0 : i32
      %dma_wait3A_127 = arith.constant 0 : i32
      %dma_wait3A_128 = tpu.memref_slice %arg3[%dma_wait3A_126, %dma_wait3A_127] : memref<1000000x64xf32, #tpu.memory_space<hbm>> -> memref<128x64xf32, #tpu.memory_space<hbm>>
      tpu.wait_dma2 semaphore(%arg11 : memref<!tpu.dma_semaphore, #tpu.memory_space<semaphore_mem>>) src(%dma_wait3A_128 : memref<128x64xf32, #tpu.memory_space<hbm>>) dst(%arg7 : memref<128x64xf32, #tpu.memory_space<vmem>>)
      %add3A_129 = arith.constant 1 : i32
      %add3A_130 = arith.addi %add3A_122, %add3A_129 : i32
      %lt3A_131 = arith.constant 200 : i32
      %lt3A_132 = arith.cmpi slt, %add3A_130, %lt3A_131 : i32
      %convert_element_type3A_133 = arith.extui %lt3A_132 : i1 to i32
      %cond3A_134 = arith.constant 0 : i32
      %cond3A_135 = arith.cmpi ne, %convert_element_type3A_133, %cond3A_134 : i32
      scf.if %cond3A_135 {
        %add3A_162 = arith.constant 1 : i32
        %add3A_163 = arith.addi %add3A_122, %add3A_162 : i32
        %shift_right_arithmetic3A_164 = arith.constant 3 : i32
        %shift_right_arithmetic3A_165 = arith.shrsi %add3A_163, %shift_right_arithmetic3A_164 : i32
        %and3A_166 = arith.constant 7 : i32
        %and3A_167 = arith.andi %add3A_163, %and3A_166 : i32
        %mul3A_168 = arith.constant 128 : i32
        %mul3A_169 = arith.muli %and3A_167, %mul3A_168 : i32
        %dma_start3A_170 = tpu.memref_slice %arg5[%shift_right_arithmetic3A_165, %mul3A_169] : memref<25x1024xi32, #tpu.memory_space<vmem>> -> memref<1x128xi32, #tpu.memory_space<vmem>>
        %dma_start3A_171 = tpu.memref_squeeze %dma_start3A_170 : memref<1x128xi32, #tpu.memory_space<vmem>> -> memref<128xi32, #tpu.memory_space<vmem>>
        %dma_start3A_172 = arith.constant 0 : i32
        %dma_start3A_173 = arith.constant 0 : i32
        %dma_start3A_174 = tpu.memref_slice %arg3[%dma_start3A_172, %dma_start3A_173] : memref<1000000x64xf32, #tpu.memory_space<hbm>> -> memref<1000000x64xf32, #tpu.memory_space<hbm>>
        tpu.enqueue_indirect_dma source(%dma_start3A_174 : memref<1000000x64xf32, #tpu.memory_space<hbm>>) target(%arg6 : memref<128x64xf32, #tpu.memory_space<vmem>>) offsets(%dma_start3A_171 : memref<128xi32, #tpu.memory_space<vmem>>) semaphore(%arg10 : memref<!tpu.dma_semaphore, #tpu.memory_space<semaphore_mem>>)
      } else {
      }
      %ge3A_136 = arith.constant 2 : i32
      %ge3A_137 = arith.cmpi sge, %add3A_122, %ge3A_136 : i32
      %convert_element_type3A_138 = arith.extui %ge3A_137 : i1 to i32
      %cond3A_139 = arith.constant 0 : i32
      %cond3A_140 = arith.cmpi ne, %convert_element_type3A_138, %cond3A_139 : i32
      scf.if %cond3A_140 {
        %dma_wait3A_162 = arith.constant 0 : i32
        %dma_wait3A_163 = arith.constant 0 : i32
        %dma_wait3A_164 = arith.constant 0 : i32
        %dma_wait3A_165 = arith.constant 0 : i32
        %dma_wait3A_166 = arith.constant 0 : i32
        %dma_wait3A_167 = tpu.memref_slice %arg9[%dma_wait3A_164, %dma_wait3A_165, %dma_wait3A_166] : memref<8x8x133xf32, #tpu.memory_space<vmem>> -> memref<8x8x128xf32, #tpu.memory_space<vmem>>
        %dma_wait3A_168 = arith.constant 0 : i32
        %dma_wait3A_169 = arith.constant 0 : i32
        %dma_wait3A_170 = arith.constant 0 : i32
        %dma_wait3A_171 = tpu.memref_slice %arg4[%dma_wait3A_162, %dma_wait3A_168, %dma_wait3A_163, %dma_wait3A_169, %dma_wait3A_170] : memref<200x8x32x8x128xf32, #tpu.memory_space<hbm>> -> memref<1x8x1x8x128xf32, #tpu.memory_space<hbm>>
        %dma_wait3A_172 = tpu.memref_squeeze %dma_wait3A_171 : memref<1x8x1x8x128xf32, #tpu.memory_space<hbm>> -> memref<8x8x128xf32, #tpu.memory_space<hbm>>
        %dma_wait3A_173 = arith.constant 0 : i32
        %dma_wait3A_174 = arith.constant 0 : i32
        %dma_wait3A_175 = arith.constant 0 : i32
        %dma_wait3A_176 = tpu.memref_slice %arg4[%dma_wait3A_162, %dma_wait3A_173, %dma_wait3A_163, %dma_wait3A_174, %dma_wait3A_175] : memref<200x8x32x8x128xf32, #tpu.memory_space<hbm>> -> memref<1x8x1x8x128xf32, #tpu.memory_space<hbm>>
        %dma_wait3A_177 = tpu.memref_squeeze %dma_wait3A_176 : memref<1x8x1x8x128xf32, #tpu.memory_space<hbm>> -> memref<8x8x128xf32, #tpu.memory_space<hbm>>
        %dma_wait3A_178 = arith.constant 0 : i32
        %dma_wait3A_179 = arith.constant 0 : i32
        %dma_wait3A_180 = arith.constant 0 : i32
        %dma_wait3A_181 = tpu.memref_slice %arg9[%dma_wait3A_178, %dma_wait3A_179, %dma_wait3A_180] : memref<8x8x133xf32, #tpu.memory_space<vmem>> -> memref<8x8x128xf32, #tpu.memory_space<vmem>>
        tpu.wait_dma2 semaphore(%arg13 : memref<!tpu.dma_semaphore, #tpu.memory_space<semaphore_mem>>) src(%dma_wait3A_181 : memref<8x8x128xf32, #tpu.memory_space<vmem>>) dst(%dma_wait3A_177 : memref<8x8x128xf32, #tpu.memory_space<hbm>>)
      } else {
      }
      %parallel_loop3A_141 = arith.constant 0 : i32
      %parallel_loop3A_142 = arith.constant 128 : i32
      %parallel_loop3A_143 = arith.constant 1 : i32
      scf.for %parallel_loop3A_162 = %parallel_loop3A_141 to %parallel_loop3A_142 step %parallel_loop3A_143  : i32 {
        %parallel_loop3A_163 = vector.broadcast %parallel_loop3A_162 : i32 to vector<16xi32>
        %parallel_loop3A_164 = arith.index_cast %parallel_loop3A_162 : i32 to index
        %parallel_loop3A_165 = arith.constant 0 : index
        %parallel_loop3A_166 = tpu.vector_load %arg7[%parallel_loop3A_164, %parallel_loop3A_165] {strides = array<i32>} : memref<128x64xf32, #tpu.memory_space<vmem>>, vector<16xf32>,
        %parallel_loop3A_167 = arith.constant 8.000000e+00 : f32
        %parallel_loop3A_168 = vector.broadcast %parallel_loop3A_167 : f32 to vector<16xf32>
        %parallel_loop3A_169 = arith.mulf %parallel_loop3A_166, %parallel_loop3A_168 : vector<16xf32>
        tpu.vector_store_idx %arg9[%add3A_7, %and3A_2, %parallel_loop3A_163], %parallel_loop3A_169 : memref<8x8x133xf32, #tpu.memory_space<vmem>>[vector<16xi32>, vector<16xi32>, vector<16xi32>], vector<16xf32>,
        %parallel_loop3A_170 = arith.index_cast %parallel_loop3A_162 : i32 to index
        %parallel_loop3A_171 = arith.constant 16 : index
        %parallel_loop3A_172 = tpu.vector_load %arg7[%parallel_loop3A_170, %parallel_loop3A_171] {strides = array<i32>} : memref<128x64xf32, #tpu.memory_space<vmem>>, vector<16xf32>,
        %parallel_loop3A_173 = arith.constant 8.000000e+00 : f32
        %parallel_loop3A_174 = vector.broadcast %parallel_loop3A_173 : f32 to vector<16xf32>
        %parallel_loop3A_175 = arith.mulf %parallel_loop3A_172, %parallel_loop3A_174 : vector<16xf32>
        tpu.vector_store_idx %arg9[%add3A_13, %and3A_2, %parallel_loop3A_163], %parallel_loop3A_175 : memref<8x8x133xf32, #tpu.memory_space<vmem>>[vector<16xi32>, vector<16xi32>, vector<16xi32>], vector<16xf32>,
        %parallel_loop3A_176 = arith.index_cast %parallel_loop3A_162 : i32 to index
        %parallel_loop3A_177 = arith.constant 32 : index
        %parallel_loop3A_178 = tpu.vector_load %arg7[%parallel_loop3A_176, %parallel_loop3A_177] {strides = array<i32>} : memref<128x64xf32, #tpu.memory_space<vmem>>, vector<16xf32>,
        %parallel_loop3A_179 = arith.constant 8.000000e+00 : f32
        %parallel_loop3A_180 = vector.broadcast %parallel_loop3A_179 : f32 to vector<16xf32>
        %parallel_loop3A_181 = arith.mulf %parallel_loop3A_178, %parallel_loop3A_180 : vector<16xf32>
        tpu.vector_store_idx %arg9[%add3A_19, %and3A_2, %parallel_loop3A_163], %parallel_loop3A_181 : memref<8x8x133xf32, #tpu.memory_space<vmem>>[vector<16xi32>, vector<16xi32>, vector<16xi32>], vector<16xf32>,
        %parallel_loop3A_182 = arith.index_cast %parallel_loop3A_162 : i32 to index
        %parallel_loop3A_183 = arith.constant 48 : index
        %parallel_loop3A_184 = tpu.vector_load %arg7[%parallel_loop3A_182, %parallel_loop3A_183] {strides = array<i32>} : memref<128x64xf32, #tpu.memory_space<vmem>>, vector<16xf32>,
        %parallel_loop3A_185 = arith.constant 8.000000e+00 : f32
        %parallel_loop3A_186 = vector.broadcast %parallel_loop3A_185 : f32 to vector<16xf32>
        %parallel_loop3A_187 = arith.mulf %parallel_loop3A_184, %parallel_loop3A_186 : vector<16xf32>
        tpu.vector_store_idx %arg9[%add3A_25, %and3A_2, %parallel_loop3A_163], %parallel_loop3A_187 : memref<8x8x133xf32, #tpu.memory_space<vmem>>[vector<16xi32>, vector<16xi32>, vector<16xi32>], vector<16xf32>,
      } {sc.loop_unroll_factor = 8 : i64, sc.parallel_access}
      %dma_start3A_144 = arith.constant 0 : i32
      %dma_start3A_145 = arith.constant 0 : i32
      %dma_start3A_146 = arith.constant 0 : i32
      %dma_start3A_147 = tpu.memref_slice %arg9[%dma_start3A_144, %dma_start3A_145, %dma_start3A_146] : memref<8x8x133xf32, #tpu.memory_space<vmem>> -> memref<8x8x128xf32, #tpu.memory_space<vmem>>
      %dma_start3A_148 = arith.constant 0 : i32
      %dma_start3A_149 = arith.constant 0 : i32
      %dma_start3A_150 = arith.constant 0 : i32
      %dma_start3A_151 = tpu.memref_slice %arg4[%add3A_122, %dma_start3A_148, %add3A, %dma_start3A_149, %dma_start3A_150] : memref<200x8x32x8x128xf32, #tpu.memory_space<hbm>> -> memref<1x8x1x8x128xf32, #tpu.memory_space<hbm>>
      %dma_start3A_152 = tpu.memref_squeeze %dma_start3A_151 : memref<1x8x1x8x128xf32, #tpu.memory_space<hbm>> -> memref<8x8x128xf32, #tpu.memory_space<hbm>>
      %dma_start3A_153 = arith.constant 0 : i32
      %dma_start3A_154 = arith.constant 0 : i32
      %dma_start3A_155 = arith.constant 0 : i32
      %dma_start3A_156 = tpu.memref_slice %arg4[%add3A_122, %dma_start3A_153, %add3A, %dma_start3A_154, %dma_start3A_155] : memref<200x8x32x8x128xf32, #tpu.memory_space<hbm>> -> memref<1x8x1x8x128xf32, #tpu.memory_space<hbm>>
      %dma_start3A_157 = tpu.memref_squeeze %dma_start3A_156 : memref<1x8x1x8x128xf32, #tpu.memory_space<hbm>> -> memref<8x8x128xf32, #tpu.memory_space<hbm>>
      %dma_start3A_158 = arith.constant 0 : i32
      %dma_start3A_159 = arith.constant 0 : i32
      %dma_start3A_160 = arith.constant 0 : i32
      %dma_start3A_161 = tpu.memref_slice %arg9[%dma_start3A_158, %dma_start3A_159, %dma_start3A_160] : memref<8x8x133xf32, #tpu.memory_space<vmem>> -> memref<8x8x128xf32, #tpu.memory_space<vmem>>
      tpu.enqueue_dma source(%dma_start3A_161 : memref<8x8x128xf32, #tpu.memory_space<vmem>>) target(%dma_start3A_157 : memref<8x8x128xf32, #tpu.memory_space<hbm>>) target_semaphore(%arg13 : memref<!tpu.dma_semaphore, #tpu.memory_space<semaphore_mem>>)
    }
    %scan3A_42 = arith.constant 100 : i32
    %dma_wait3A = arith.constant 0 : i32
    %dma_wait3A_43 = arith.constant 0 : i32
    %dma_wait3A_44 = arith.constant 0 : i32
    %dma_wait3A_45 = arith.constant 0 : i32
    %dma_wait3A_46 = arith.constant 0 : i32
    %dma_wait3A_47 = tpu.memref_slice %arg8[%dma_wait3A_44, %dma_wait3A_45, %dma_wait3A_46] : memref<8x8x133xf32, #tpu.memory_space<vmem>> -> memref<8x8x128xf32, #tpu.memory_space<vmem>>
    %dma_wait3A_48 = arith.constant 0 : i32
    %dma_wait3A_49 = arith.constant 0 : i32
    %dma_wait3A_50 = arith.constant 0 : i32
    %dma_wait3A_51 = tpu.memref_slice %arg4[%dma_wait3A, %dma_wait3A_48, %dma_wait3A_43, %dma_wait3A_49, %dma_wait3A_50] : memref<200x8x32x8x128xf32, #tpu.memory_space<hbm>> -> memref<1x8x1x8x128xf32, #tpu.memory_space<hbm>>
    %dma_wait3A_52 = tpu.memref_squeeze %dma_wait3A_51 : memref<1x8x1x8x128xf32, #tpu.memory_space<hbm>> -> memref<8x8x128xf32, #tpu.memory_space<hbm>>
    %dma_wait3A_53 = arith.constant 0 : i32
    %dma_wait3A_54 = arith.constant 0 : i32
    %dma_wait3A_55 = arith.constant 0 : i32
    %dma_wait3A_56 = tpu.memref_slice %arg4[%dma_wait3A, %dma_wait3A_53, %dma_wait3A_43, %dma_wait3A_54, %dma_wait3A_55] : memref<200x8x32x8x128xf32, #tpu.memory_space<hbm>> -> memref<1x8x1x8x128xf32, #tpu.memory_space<hbm>>
    %dma_wait3A_57 = tpu.memref_squeeze %dma_wait3A_56 : memref<1x8x1x8x128xf32, #tpu.memory_space<hbm>> -> memref<8x8x128xf32, #tpu.memory_space<hbm>>
    %dma_wait3A_58 = arith.constant 0 : i32
    %dma_wait3A_59 = arith.constant 0 : i32
    %dma_wait3A_60 = arith.constant 0 : i32
    %dma_wait3A_61 = tpu.memref_slice %arg8[%dma_wait3A_58, %dma_wait3A_59, %dma_wait3A_60] : memref<8x8x133xf32, #tpu.memory_space<vmem>> -> memref<8x8x128xf32, #tpu.memory_space<vmem>>
    tpu.wait_dma2 semaphore(%arg12 : memref<!tpu.dma_semaphore, #tpu.memory_space<semaphore_mem>>) src(%dma_wait3A_61 : memref<8x8x128xf32, #tpu.memory_space<vmem>>) dst(%dma_wait3A_57 : memref<8x8x128xf32, #tpu.memory_space<hbm>>)
    %dma_wait3A_62 = arith.constant 0 : i32
    %dma_wait3A_63 = arith.constant 0 : i32
    %dma_wait3A_64 = arith.constant 0 : i32
    %dma_wait3A_65 = arith.constant 0 : i32
    %dma_wait3A_66 = arith.constant 0 : i32
    %dma_wait3A_67 = tpu.memref_slice %arg9[%dma_wait3A_64, %dma_wait3A_65, %dma_wait3A_66] : memref<8x8x133xf32, #tpu.memory_space<vmem>> -> memref<8x8x128xf32, #tpu.memory_space<vmem>>
    %dma_wait3A_68 = arith.constant 0 : i32
    %dma_wait3A_69 = arith.constant 0 : i32
    %dma_wait3A_70 = arith.constant 0 : i32
    %dma_wait3A_71 = tpu.memref_slice %arg4[%dma_wait3A_62, %dma_wait3A_68, %dma_wait3A_63, %dma_wait3A_69, %dma_wait3A_70] : memref<200x8x32x8x128xf32, #tpu.memory_space<hbm>> -> memref<1x8x1x8x128xf32, #tpu.memory_space<hbm>>
    %dma_wait3A_72 = tpu.memref_squeeze %dma_wait3A_71 : memref<1x8x1x8x128xf32, #tpu.memory_space<hbm>> -> memref<8x8x128xf32, #tpu.memory_space<hbm>>
    %dma_wait3A_73 = arith.constant 0 : i32
    %dma_wait3A_74 = arith.constant 0 : i32
    %dma_wait3A_75 = arith.constant 0 : i32
    %dma_wait3A_76 = tpu.memref_slice %arg4[%dma_wait3A_62, %dma_wait3A_73, %dma_wait3A_63, %dma_wait3A_74, %dma_wait3A_75] : memref<200x8x32x8x128xf32, #tpu.memory_space<hbm>> -> memref<1x8x1x8x128xf32, #tpu.memory_space<hbm>>
    %dma_wait3A_77 = tpu.memref_squeeze %dma_wait3A_76 : memref<1x8x1x8x128xf32, #tpu.memory_space<hbm>> -> memref<8x8x128xf32, #tpu.memory_space<hbm>>
    %dma_wait3A_78 = arith.constant 0 : i32
    %dma_wait3A_79 = arith.constant 0 : i32
    %dma_wait3A_80 = arith.constant 0 : i32
    %dma_wait3A_81 = tpu.memref_slice %arg9[%dma_wait3A_78, %dma_wait3A_79, %dma_wait3A_80] : memref<8x8x133xf32, #tpu.memory_space<vmem>> -> memref<8x8x128xf32, #tpu.memory_space<vmem>>
    tpu.wait_dma2 semaphore(%arg13 : memref<!tpu.dma_semaphore, #tpu.memory_space<semaphore_mem>>) src(%dma_wait3A_81 : memref<8x8x128xf32, #tpu.memory_space<vmem>>) dst(%dma_wait3A_77 : memref<8x8x128xf32, #tpu.memory_space<hbm>>)
    return
  }
}

</mosaic_0001>

<sc_bundles>
// kernel: kernel.3.cloned.1.call-start
scs
__scs_entry_jumppad:
0x0: {  	(pc) =	sbr.rel $0x88, $3  }
0x1: {  	(tag) =	ssettag $0x0;
	lr =	simm.s32 $0x1  }
0x2: {  	[smem:$0x3F9F] =	sst lr;
	_ =	strace $0xD0000000  }
0x3: {  	_ = 	snop  }
0x4: {  	_ = 	snop  }
0x5: {  	_ = 	snop  }
0x6: {  	_ = 	snop  }
0x7: {  	_ = 	snop  }
__scs_overlays_trampoline_lowered:
0x8: {  	[smem:$0x3FAE] =	sst s0  }
0x9: {  	[smem:$0x3FAF] =	sst s1  }
0xa: {  	[smem:$0x3FB0] =	sst s2  }
0xb: {  	[smem:$0x3FB1] =	sst s3  }
0xc: {  	[smem:$0x3FB2] =	sst s4  }
0xd: {  	[smem:$0x3FB3] =	sst s5  }
0xe: {  	[smem:$0x3FB4] =	sst s6  }
0xf: {  	[smem:$0x3FB5] =	sst s7  }
0x10: {  	[smem:$0x3FB6] =	sst s8  }
0x11: {  	[smem:$0x3FB7] =	sst s9;
	s0 =	simm.s32 @!p0 $0x0  }
0x12: {  	s1 =	sld [smem:$0x3F9D];
	s0 =	simm.s32 @p0 $0x1  }
0x13: {  	[smem:$0x3FB8] =	sst s0;
	s0 =	simm.s32 @!p1 $0x0  }
0x14: {  	s2 =	sld [smem:$0x3F9C];
	s0 =	simm.s32 @p1 $0x1  }
0x15: {  	[smem:$0x3FB9] =	sst s0;
	s0 =	simm.s32 @!p2 $0x0  }
0x16: {  	s3 =	sld [smem:$0x3FDB];
	s0 =	simm.s32 @p2 $0x1  }
0x17: {  	s4 =	simm.s32 $0x1BF5;
	[smem:$0x3FBB] =	sst s0  }
0x18: {  	s0 =	sld [smem:$0x3F9E];
	_ =	swait.ge [sflag:s4], $0x0  }
0x19: {  	s7 =	sld [smem:$0x3F9F]  }
0x1a: {  	s8 =	sadd.s32 $0xFFFFE003, lr  }
0x1b: {  	s9 =	sadd.s32 $0xFFFFFEF7, lr;
	s5 =	simm.s32 $0xFFFFFFFF;
	p2 =	slt.u32 s8, $0xFFFFF086  }
0x1c: {  	p1 =	slt.u32 s9, $0xF7A;
	s5 =	simm.s32 @!p2 $0x0  }
0x1d: {  	s5 =	simm.s32 @p1 $0x1;
	p0 =	seq.s32 s7, s2  }
0x1e: {  	s7 =	smul.u32 @!p0 $0xF7A, s2;
	p2 =	seq.s32 @!p0 s5, $0x0  }
0x1f: {  	s9 =	smul.u32 $0xF7A, s1;
	s8 =	simm.s32 @!p0 $0x1BF5;
	p2 =	por !p2, p0  }
0x20: {  	[sflag:s8] =	ssyncset.s32 @!p0 $0xFFFFF086;
	s6 =	sadd.s32 @!p0 s3, s7;
	s7 =	simm.s32 @!p0 $0x108  }
0x21: {  	s3 =	sadd.s32 s3, s9;
	s6 =	sadd.s32 @!p0 $0x88, s6;
	s7 =	simm.s32 @p2 $0x1082  }
0x22: {  	[simem:s7], [sflag:s8] =	dma.local @!p0 [hbm:s6], $0xF7A  }
0x23: {  	s9 =	sor.u32 $0xD0000000, s2;
	s6 =	simm.s32 $0x108;
	_ =	swait.ge @!p0 [sflag:s8], $0x0  }
0x24: {  	s3 =	sadd.s32 $0x88, s3;
	s6 =	simm.s32 @!p1 $0x1082;
	[sflag:s4] =	ssyncset.s32 $0xFFFFF086  }
0x25: {  	[simem:s6], [sflag:s4] =	dma.local [hbm:s3], $0xF7A  }
0x26: {  	[smem:$0x3F9F] =	sst s1;
	(tag) =	ssettag s2;
	_ =	strace s9  }
0x27: {  	s1 =	sld [smem:$0x3FAF]  }
0x28: {  	s2 =	sld [smem:$0x3FB0]  }
0x29: {  	s4 =	sld [smem:$0x3FB2]  }
0x2a: {  	p0 =	seq.s32 s5, $0x0;
	s5 =	sld [smem:$0x3FB3]  }
0x2b: {  	s6 =	sld [smem:$0x3FB4]  }
0x2c: {  	s7 =	sld [smem:$0x3FB5]  }
0x2d: {  	s3 =	simm.s32 $0x108;
	s8 =	sld [smem:$0x3FB6]  }
0x2e: {  	s3 =	simm.s32 @!p0 $0x1082;
	s9 =	sld [smem:$0x3FB7]  }
0x2f: {  	lr =	sadd.s32 s0, s3;
	s0 =	sld [smem:$0x3FAE]  }
0x30: {  	s3 =	sld [smem:$0x3FB1]  }
0x31: {  	[smem:$0x3FBA] =	sst s10  }
0x32: {  	s10 =	sld [smem:$0x3FB8];
	_ =	sdelay $0x3  }
0x33: {  	p0 =	seq.s32 s10, $0x1;
	s10 =	sld [smem:$0x3FBA];
	_ =	sdelay $0x3  }
0x34: {  	[smem:$0x3FBA] =	sst s10  }
0x35: {  	s10 =	sld [smem:$0x3FB9];
	_ =	sdelay $0x3  }
0x36: {  	p1 =	seq.s32 s10, $0x1;
	s10 =	sld [smem:$0x3FBA];
	_ =	sdelay $0x3  }
0x37: {  	[smem:$0x3FBA] =	sst s10  }
0x38: {  	s10 =	sld [smem:$0x3FBB]  }
0x39: {  	_ = 	snop;
	(pc) =	sbr.ind lr, $3  }
0x3a: {  	_ = 	snop  }
0x3b: {  	_ = 	snop  }
0x3c: {  	p2 =	seq.s32 s10, $0x1;
	s10 =	sld [smem:$0x3FBA]  }
0x3d: {  	_ =	shalt  }
0x3e: {  	_ =	shalt  }
0x3f: {  	_ =	shalt  }
0x40: {  	_ =	shalt  }
0x41: {  	_ =	shalt  }
0x42: {  	_ =	shalt  }
0x43: {  	_ =	shalt  }
0x44: {  	_ =	shalt  }
0x45: {  	_ =	shalt  }
0x46: {  	_ =	shalt  }
0x47: {  	_ =	shalt  }
0x48: {  	_ =	shalt  }
0x49: {  	_ =	shalt  }
0x4a: {  	_ =	shalt  }
0x4b: {  	_ =	shalt  }
0x4c: {  	_ =	shalt  }
0x4d: {  	_ =	shalt  }
0x4e: {  	_ =	shalt  }
0x4f: {  	_ =	shalt  }
0x50: {  	_ =	shalt  }
0x51: {  	_ =	shalt  }
0x52: {  	_ =	shalt  }
0x53: {  	_ =	shalt  }
0x54: {  	_ =	shalt  }
0x55: {  	_ =	shalt  }
0x56: {  	_ =	shalt  }
0x57: {  	_ =	shalt  }
0x58: {  	_ =	shalt  }
0x59: {  	_ =	shalt  }
0x5a: {  	_ =	shalt  }
0x5b: {  	_ =	shalt  }
0x5c: {  	_ =	shalt  }
0x5d: {  	_ =	shalt  }
0x5e: {  	_ =	shalt  }
0x5f: {  	_ =	shalt  }
0x60: {  	_ =	shalt  }
0x61: {  	_ =	shalt  }
0x62: {  	_ =	shalt  }
0x63: {  	_ =	shalt  }
0x64: {  	_ =	shalt  }
0x65: {  	_ =	shalt  }
0x66: {  	_ =	shalt  }
0x67: {  	_ =	shalt  }
0x68: {  	_ =	shalt  }
0x69: {  	_ =	shalt  }
0x6a: {  	_ =	shalt  }
0x6b: {  	_ =	shalt  }
0x6c: {  	_ =	shalt  }
0x6d: {  	_ =	shalt  }
0x6e: {  	_ =	shalt  }
0x6f: {  	_ =	shalt  }
0x70: {  	_ =	shalt  }
0x71: {  	_ =	shalt  }
0x72: {  	_ =	shalt  }
0x73: {  	_ =	shalt  }
0x74: {  	_ =	shalt  }
0x75: {  	_ =	shalt  }
0x76: {  	_ =	shalt  }
0x77: {  	_ =	shalt  }
0x78: {  	_ =	shalt  }
0x79: {  	_ =	shalt  }
0x7a: {  	_ =	shalt  }
0x7b: {  	_ =	shalt  }
0x7c: {  	_ =	shalt  }
0x7d: {  	_ =	shalt  }
0x7e: {  	_ =	shalt  }
0x7f: {  	_ =	shalt  }
0x80: {  	_ =	shalt  }
0x81: {  	_ =	shalt  }
0x82: {  	_ =	shalt  }
0x83: {  	_ =	shalt  }
0x84: {  	_ =	shalt  }
0x85: {  	_ =	shalt  }
0x86: {  	_ =	shalt  }
0x87: {  	_ =	shalt  }
.Lfunc_end0:
.L_simem_size_0:
called_computation_lowered:
.L_overlay_start_0:
0x88: {  	s2 =	sld [smem:$0x3FD9]  }
0x89: {  	s3 =	sld [smem:$0x3FFE];
	_ =	sdelay $0x1  }
0x8a: {  	s1 =	srdreg.scid  }
0x8b: {  	s0 =	sand.u32 $0x1, s1  }
0x8c: {  	s17 =	sshll.u32 s0, $0xA;
	s2 =	sadd.s32 s3, s2  }
0x8d: {  	s2 =	sadd.s32 s2, s17  }
0x8e: {  	[smem:$0x3FC6] =	sst s2  }
0x8f: {  	_ = 	snop  }
0x90: {  	s2 =	sld [smem:$0x3FC9]  }
0x91: {  	s18 =	sld [smem:$0x3FD0];
	(tm) =	ssettm $0x1  }
0x92: {  	s4 =	sld [smem:$0x3FFB];
	_ =	sdelay $0x3  }
0x93: {  	_ =	strace s4  }
0x94: {  	s4 =	sld [smem:$0x3FFC];
	_ =	sdelay $0x3  }
0x95: {  	_ =	strace s4  }
0x96: {  	s4 =	sld [smem:$0x3FFD];
	_ =	sdelay $0x3  }
0x97: {  	_ =	strace s4  }
0x98: {  	_ =	strace $0x8FFFFFFF  }
0x99: {  	s19 =	sld [smem:$0x3FDB];
	_ =	sdelay $0x1  }
0x9a: {  	s5 =	simm.s32 $_scs_section_size  }
0x9b: {  	s6 =	simm.s32 $_size__tile_overlayer_lowered;
	s7 =	simm.s32 $_tile_overlayer_lowered  }
0x9c: {  	s22 =	simm.s32 $0x1BFF;
	s21 =	sshll.u32 s7, $0x1;
	s4 =	sadd.s32 s5, s19  }
0x9d: {  	s8 =	simm.s32 $0x0;
	s20 =	sshll.u32 s6, $0x1;
	s6 =	sadd.s32 s21, s4  }
0x9e: {  	[timem:s8], [sflag:s22] =	dma.local [hbm:s6], s20  }
0x9f: {  	_ =	swait.ge [sflag:s22], s20  }
0xa0: {  	s5 =	ssub.s32 $0x0, s20;
	[sflag:s22] =	ssyncset.done $0x0  }
0xa1: {  	[sflag:s22] =	ssyncadd.s32 s5;
	_ =	sdelay $0x1  }
0xa2: {  	s23 =	simm.s32 $0x1B8B  }
0xa3: {  	_ =	swait.ge [sflag:s23], $0x1  }
0xa4: {  	[sflag:s23] =	ssyncset.done $0x0  }
0xa5: {  	s25 =	simm.s32 $0x1B8E;
	s24 =	sld [smem:$0x3FFE];
	[sflag:s23] =	ssyncadd.s32 $0xFFFFFFFF  }
0xa6: {  	s26 =	simm.s32 $execute0_lowered;
	[smem:$0x3FD2] =	sst s25  }
0xa7: {  	s6 =	sshll.u32 s26, $0x1;
	_ =	strace $0x80000046;
	[dreg:$0x1] =	wrdreg $0xFFFFFFFF  }
0xa8: {  	s28 =	simm.s32 $_size_execute0_lowered;
	s4 =	sadd.s32 s4, s6;
	[dreg:$0x0] =	wrdreg $0x0  }
0xa9: {  	s6 =	sshll.u32 s28, $0x1;
	[dreg:$0x2] =	wrdreg s4  }
0xaa: {  	[dreg:$0x3] =	wrdreg s6  }
0xab: {  	[dreg:$0x4] =	wrdreg $0xC0  }
0xac: {  	_ =	task [dreg:s8], $0x5FFFF  }
0xad: {  	[dreg:$0x1] =	wrdreg $0xFFFFFFFF  }
0xae: {  	[dreg:$0x0] =	wrdreg $0x60  }
0xaf: {  	[dreg:$0x2] =	wrdreg s2  }
0xb0: {  	[dreg:$0x3] =	wrdreg s24  }
0xb1: {  	[dreg:$0x4] =	wrdreg s18  }
0xb2: {  	[dreg:$0x5] =	wrdreg $0x9  }
0xb3: {  	_ =	task.clear_ibuf [dreg:s8], $0x6FFFF;
	_ =	strace $0x90000046  }
0xb4: {  	s29 =	simm.s32 $0x9;
	_ =	strace $0x80000048  }
0xb5: {  	_ =	swait.ge [sflag:s29], $0x1  }
0xb6: {  	[sflag:s29] =	ssyncadd.s32 $0xFFFFFFFF  }
0xb7: {  	_ =	strace $0x90000048  }
0xb8: {  	_ =	sfence  }
0xb9: {  	s30 =	sld [smem:$0x0];
	_ =	sdelay $0x2  }
0xba: {  	s31 =	sshll.u32 s1, $0xD;
	s1 =	sshrl.u32 s1, $0x2  }
0xbb: {  	s3 =	sand.u32 $0x4000, s31;
	s1 =	sadd.s32 s1, s30  }
0xbc: {  	s0 =	sor.u32 s3, s0;
	s1 =	sshll.u32 s1, $0x11  }
0xbd: {  	s0 =	sor.u32 s1, s0  }
0xbe: {  	s0 =	sadd.s32 $0x8F2B, s0  }
0xbf: {  	[sflag:s0] =	ssyncadd.remote.s32 $0x1  }
0xc0: {  	_ =	sfence.sel $0xFFFF  }
0xc1: {  	[dreg:$0x0] =	wrdreg $0xFFFFFFFF;
	(pc) =	sbr.abs _section_cstart, $3  }
0xc2: {  	[dreg:$0x1] =	wrdreg $0xFFFFFFFF  }
0xc3: {  	_ =	task.clear_ibuf [dreg:s8], $0x2FFFF;
	_ =	strace $0x9FFFFFFF  }
0xc4: {  	(tm) =	ssettm $0x7FFFFFFF  }
0xc5: {  	_ =	shalt  }
tec
execute0_lowered:
.L_overlay_start_1:
0x0: {  	(tag) =	ssettag $0x1  }
0x1: {  	s6 =	rddreg [dreg:$0x0]  }
0x2: {  	v0 =	vlaneseq.u32;
	s5 =	rddreg [dreg:$0x1]  }
0x3: {  	s1 =	rddreg [dreg:$0x2];
	s2 =	simm.s32 $0x0;
	v8 =	vmul.u32 $0x88, v0  }
0x4: {  	[smem:$0x7FF] =	sst s2  }
0x5: {  	s0 =	rddreg [dreg:$0x3];
	_ =	strace $0x80000047;
	v0 =	vadd.s32 $0x1983, v8;
	[tilespmem:$0x1FF10] =	vst v8  }
0x6: {  	v3 =	vadd.s32 $0x1982, v8;
	[tilespmem:$0x1FEC0] =	vst v0  }
0x7: {  	v21 =	vadd.s32 $0x1984, v8;
	[tilespmem:$0x1FEF0] =	vst v3  }
0x8: {  	v9 =	vor.u32 $0x1, v8;
	[tilespmem:$0x1FF00] =	vst v21  }
0x9: {  	v13 =	vor.u32 $0x2, v8;
	[tilespmem:$0x1FF20] =	vst v9  }
0xa: {  	v20 =	vor.u32 $0x3, v8;
	[tilespmem:$0x1FF30] =	vst v13  }
0xb: {  	v23 =	vor.u32 $0x4, v8;
	[tilespmem:$0x1FF40] =	vst v20  }
0xc: {  	v63 =	vor.u32 $0x5, v8;
	[tilespmem:$0x1FF50] =	vst v23  }
0xd: {  	v26 =	vadd.s32 $0x1986, v8;
	[tilespmem:$0x1FF60] =	vst v63  }
0xe: {  	v27 =	vor.u32 $0x7, v8;
	[tilespmem:$0x1FF70] =	vst v26  }
0xf: {  	v17 =	vadd.s32 $0x1104, v8;
	[tilespmem:$0x1FF80] =	vst v27  }
0x10: {  	s4 =	srdreg.scid;
	s3 =	stileid.u32;
	v24 =	vadd.s32 $0x1105, v8;
	[tilespmem:$0x1FF90] =	vst v17  }
0x11: {  	s10 =	simm.s32 $0x5;
	s11 =	simm.s32 $0x80;
	s12 =	simm.s32 $0x6400;
	v19 =	vadd.s32 $0x1106, v8;
	[tilespmem:$0x1FFA0] =	vst v24  }
0x12: {  	v1 =	vimm.s32 $0x0;
	vm0 =	vcmask $0x300;
	s13 =	simm.s32 $0x1;
	s14 =	simm.s32 $0x8400;
	s15 =	simm.s32 $0xA400;
	v58 =	vadd.s32 $0x887, v8;
	[tilespmem:$0x1FFB0] =	vst v19  }
0x13: {  	s16 =	simm.s32 $0x2;
	s17 =	simm.s32 $0xC600;
	s18 =	simm.s32 $0x3;
	v1 =	vsel vm0, $0x3, v1;
	v5 =	vadd.s32 $0x880, v8;
	v4 =	vadd.s32 $0x1981, v8;
	[tilespmem:$0x1FFC0] =	vst v58  }
0x14: {  	s19 =	simm.s32 $0x4;
	s20 =	simm.s32 $0x0;
	s4 =	sand.u32 $0x1, s4;
	v2 =	vadd.s32 $0x1100, v8;
	v7 =	vadd.s32 $0x1980, v8;
	v0 =	vadd.s32 $0x1985, v8;
	[tilespmem:$0x1FFD0] =	vst v4  }
0x15: {  	s8 =	sshll.u32 s3, $0xB;
	s7 =	ssub.s32 $0x2, s4;
	s4 =	sshll.u32 s4, $0xA;
	v11 =	vadd.s32 $0x881, v8;
	v28 =	vadd.s32 $0x1107, v8;
	[tilespmem:$0x1FED0] =	vst v0;
	v0 =	vadd.s32 $0x1987, v8  }
0x16: {  	s5 =	sadd.s32 $0xF42800, s5;
	v10 =	vadd.s32 $0x1101, v8;
	v14 =	vadd.s32 $0x882, v8;
	v12 =	vadd.s32 $0x1102, v8;
	s9 =	sshrl.u32 s7, $0x1;
	s4 =	sor.u32 s4, s8;
	[tilespmem:$0x1FFE0] =	vst v28  }
0x17: {  	v16 =	vadd.s32 $0x883, v8;
	v18 =	vadd.s32 $0x1103, v8;
	v62 =	vadd.s32 $0x884, v8;
	s7 =	ssub.s32 s7, s9;
	s8 =	sshrl.u32 s4, $0x3;
	s9 =	simm.s32 $0x8000;
	[tilespmem:$0x1FFF0] =	vst v7  }
0x18: {  	v22 =	vadd.s32 $0x885, v8;
	v30 =	vor.u32 $0x6, v8;
	v25 =	vadd.s32 $0x886, v8;
	s6 =	sadd.s32 s6, s8;
	s7 =	smax.u32 s7, $0x1;
	s8 =	simm.s32 $0x400;
	[tilespmem:$0x1FEE0] =	vst v0;
	v0 =	vmovc v19  }
.LBB2_1:
0x19: {  	[tilespmem:s2], [sflag:$0x5] =	stream.strided.gather [hbm4b:s6+s8], $0x6400, s9, s8, $0x38;
	[tilespmem:$0xE800] =	vst v63  }
0x1a: {  	_ =	swait.ge [sflag:s10], $0x6400  }
0x1b: {  	[sflag:s10] =	ssyncset.done $0x0  }
0x1c: {  	s21 =	simm.s32 $0x0;
	[sflag:s10] =	ssyncadd.s32 $0xFFFF9C00  }
0x1d: {  	[tilespmem:s12], [sflag:$0x1] =	stream.indirect.gather [hbm4b:s5+s11], $0x40, s2, s11, $0xb8;
	[tilespmem:$0xE800] =	vst v63  }
.LBB2_2:
0x1e: {  	s22 =	sshllo.u32 s21, $0x1;
	_ =	swait.ge [sflag:s13], $0x2000;
	s23 =	sshll.u32 s21, $0x8  }
0x1f: {  	s28 =	simm.s32 $0x0;
	s29 =	simm.s32 $0x1;
	s30 =	simm.s32 $0x2  }
0x20: {  	s31 =	simm.s32 $0x3;
	s26 =	simm.s32 $0x4;
	p0 =	seq.s32 s21, $0x0  }
0x21: {  	s24 =	sshll.u32 s22, $0x7;
	[sflag:s13] =	ssyncset.done $0x0;
	s25 =	sand.u32 $0x7C00, s23  }
0x22: {  	v33 =	vmov s28;
	v37 =	vmov s26;
	s28 =	simm.s32 $0x6;
	s26 =	simm.s32 @!p0 $0x3;
	s24 =	sand.u32 $0x380, s24  }
0x23: {  	v34 =	vmov s29;
	v35 =	vmov s30;
	v36 =	vmov s31;
	s29 =	simm.s32 $0x7;
	[sflag:s13] =	ssyncadd.s32 $0xFFFFE000;
	s24 =	sor.u32 s24, s25  }
0x24: {  	v33 =	vshrl.u32 v33, $0x3;
	v39 =	vmov s28;
	v34 =	vshrl.u32 v34, $0x3;
	[tilespmem:s14], [sflag:$0x2] =	stream.indirect.gather [hbm4b:s5+s11], $0x40, s24, s11, $0xb8;
	[tilespmem:$0xE800] =	vst v63  }
0x25: {  	v40 =	vmov s29;
	v35 =	vshrl.u32 v35, $0x3;
	v36 =	vshrl.u32 v36, $0x3;
	_ =	swait.ge @!p0 [sflag:s26], $0x2000  }
0x26: {  	v37 =	vshrl.u32 v37, $0x3;
	v33 =	vshll.u32 v33, v1;
	v40 =	vshrl.u32 v40, $0x3;
	[sflag:s26] =	ssyncset.done @!p0 $0x0  }
0x27: {  	v42 =	vshrl.u32 v39, $0x3;
	v34 =	vshll.u32 v34, v1;
	s24 =	simm.s32 $0x6500;
	v40 =	vshll.u32 v40, v1;
	[sflag:s26] =	ssyncadd.s32 @!p0 $0xFFFFE000  }
0x28: {  	s25 =	simm.s32 $0x5;
	v35 =	vshll.u32 v35, v1;
	v36 =	vshll.u32 v36, v1;
	v15 =	vbroadcast v40, $0x0;
	v56 =	vld [tilespmem:s24+$0xC0]  }
0x29: {  	v44 =	vshll.u32 v37, v1;
	v38 =	vmov s25;
	v29 =	vbroadcast v33, $0x0;
	v43 =	vld [tilespmem:s24+$0xFFFFFF00]  }
0x2a: {  	v31 =	vbroadcast v34, $0x0;
	v37 =	vbroadcast v35, $0x0;
	v46 =	vadd.s32 v27, v15;
	v45 =	vld [tilespmem:s24+$0xFFFFFF40]  }
0x2b: {  	v42 =	vshll.u32 v42, v1;
	v36 =	vbroadcast v36, $0x0;
	v59 =	vadd.s32 v8, v29;
	v47 =	vld [tilespmem:s24+$0xFFFFFF80]  }
0x2c: {  	v35 =	vbroadcast v44, $0x0;
	v38 =	vshrl.u32 v38, $0x3;
	v48 =	vadd.s32 v9, v31;
	v49 =	vld [tilespmem:s24+$0xFFFFFFC0]  }
0x2d: {  	v57 =	vshll.u32 v38, v1;
	v50 =	vadd.s32 v13, v37;
	v51 =	vld [tilespmem:s24+$0x0];
	v60 =	vmul.f32 $8.000000000e+00, v56  }
0x2e: {  	v52 =	vadd.s32 v20, v36;
	v33 =	vbroadcast v57, $0x0;
	v53 =	vld [tilespmem:s24+$0x40];
	v43 =	vmul.f32 $8.000000000e+00, v43  }
0x2f: {  	v34 =	vbroadcast v42, $0x0;
	v54 =	vadd.s32 v23, v35;
	v55 =	vld [tilespmem:s24+$0x80];
	v45 =	vmul.f32 $8.000000000e+00, v45;
	[tilespmem:v46+s15+$0x0] =	vst.idx.msk $0xffff, v60  }
0x30: {  	v32 =	vmul.f32 $8.000000000e+00, v47;
	[tilespmem:v59+s15+$0x0] =	vst.idx.msk $0xffff, v43;
	v43 =	vadd.s32 v63, v33;
	v44 =	vld [tilespmem:s24+$0xD0]  }
0x31: {  	s30 =	simm.s32 $0x8;
	v41 =	vmul.f32 $8.000000000e+00, v49;
	v47 =	vadd.s32 v30, v34;
	[tilespmem:v48+s15+$0x0] =	vst.idx.msk $0xffff, v45;
	v46 =	vld [tilespmem:s24+$0xFFFFFF10]  }
0x32: {  	v61 =	vmov s30;
	[tilespmem:v50+s15+$0x0] =	vst.idx.msk $0xffff, v32;
	v60 =	vmul.f32 $8.000000000e+00, v51;
	v50 =	vadd.s32 v58, v15;
	v49 =	vld [tilespmem:s24+$0xFFFFFF50]  }
0x33: {  	v42 =	vshrl.u32 v61, $0x3;
	v56 =	vadd.s32 v5, v29;
	v61 =	vmul.f32 $8.000000000e+00, v53;
	[tilespmem:v52+s15+$0x0] =	vst.idx.msk $0xffff, v41;
	v57 =	vld [tilespmem:s24+$0xFFFFFF90]  }
0x34: {  	v20 =	vmov v58;
	v53 =	vadd.s32 v11, v31;
	v32 =	vmul.f32 $8.000000000e+00, v55;
	v58 =	vld [tilespmem:s24+$0xFFFFFFD0];
	[tilespmem:v54+s15+$0x0] =	vst.idx.msk $0xffff, v60  }
0x35: {  	v55 =	vadd.s32 v14, v37;
	v59 =	vld [tilespmem:s24+$0x10];
	[tilespmem:v43+s15+$0x0] =	vst.idx.msk $0xffff, v61;
	v43 =	vmul.f32 $8.000000000e+00, v44  }
0x36: {  	[tilespmem:v47+s15+$0x0] =	vst.idx.msk $0xffff, v32;
	v45 =	vmul.f32 $8.000000000e+00, v46;
	v46 =	vadd.s32 v16, v36;
	v60 =	vld [tilespmem:s24+$0x50]  }
0x37: {  	v61 =	vld [tilespmem:s24+$0x90];
	v32 =	vmul.f32 $8.000000000e+00, v49;
	v49 =	vadd.s32 v62, v35;
	[tilespmem:v50+s15+$0x0] =	vst.idx.msk $0xffff, v43  }
0x38: {  	v39 =	vmul.f32 $8.000000000e+00, v57;
	[tilespmem:v56+s15+$0x0] =	vst.idx.msk $0xffff, v45;
	v45 =	vadd.s32 v22, v33;
	v50 =	vld [tilespmem:s24+$0xE0]  }
0x39: {  	[tilespmem:v53+s15+$0x0] =	vst.idx.msk $0xffff, v32;
	v32 =	vmul.f32 $8.000000000e+00, v58;
	v53 =	vadd.s32 v25, v34;
	v56 =	vld [tilespmem:s24+$0xFFFFFF20]  }
0x3a: {  	s31 =	simm.s32 $0x9;
	[tilespmem:v55+s15+$0x0] =	vst.idx.msk $0xffff, v39;
	v39 =	vmul.f32 $8.000000000e+00, v59;
	v55 =	vadd.s32 v28, v15;
	v57 =	vld [tilespmem:s24+$0xFFFFFF60]  }
0x3b: {  	s30 =	simm.s32 $0xD;
	v48 =	vmov s31;
	v58 =	vadd.s32 v2, v29;
	v59 =	vld [tilespmem:s24+$0xFFFFFFA0];
	[tilespmem:v46+s15+$0x0] =	vst.idx.msk $0xffff, v32;
	v46 =	vmul.f32 $8.000000000e+00, v60  }
0x3c: {  	v6 =	vmovc v25;
	v44 =	vmov s30;
	v47 =	vmul.f32 $8.000000000e+00, v61;
	v60 =	vadd.s32 v10, v31;
	[tilespmem:v49+s15+$0x0] =	vst.idx.msk $0xffff, v39  }
0x3d: {  	s31 =	simm.s32 $0xE;
	v41 =	vshrl.u32 v44, $0x3;
	v25 =	vmovc v62;
	v49 =	vadd.s32 v12, v37;
	v62 =	vld [tilespmem:s24+$0xFFFFFFE0];
	[tilespmem:v45+s15+$0x0] =	vst.idx.msk $0xffff, v46;
	v44 =	vmul.f32 $8.000000000e+00, v50  }
0x3e: {  	v38 =	vmov s31;
	v43 =	vshll.u32 v42, v1;
	v32 =	vmovc v63;
	v63 =	vld [tilespmem:s24+$0x20];
	[tilespmem:v53+s15+$0x0] =	vst.idx.msk $0xffff, v47;
	v50 =	vmul.f32 $8.000000000e+00, v56  }
0x3f: {  	v42 =	vshrl.u32 v38, $0x3;
	v38 =	vbroadcast v43, $0x0;
	v40 =	vld [tilespmem:s24+$0x60];
	v43 =	vmul.f32 $8.000000000e+00, v57;
	[tilespmem:v55+s15+$0x0] =	vst.idx.msk $0xffff, v44  }
0x40: {  	s28 =	simm.s32 $0xB;
	s26 =	simm.s32 $0xA;
	v39 =	vadd.s32 v18, v36;
	v61 =	vld [tilespmem:s24+$0xA0];
	v46 =	vmul.f32 $8.000000000e+00, v59;
	[tilespmem:v58+s15+$0x0] =	vst.idx.msk $0xffff, v50  }
0x41: {  	v51 =	vmov s26;
	v52 =	vmov s28;
	v57 =	vadd.s32 v17, v35;
	[tilespmem:v60+s15+$0x0] =	vst.idx.msk $0xffff, v43;
	v56 =	vld [tilespmem:s24+$0xF0]  }
0x42: {  	v48 =	vshrl.u32 v48, $0x3;
	v51 =	vshrl.u32 v51, $0x3;
	v52 =	vshrl.u32 v52, $0x3;
	[tilespmem:v49+s15+$0x0] =	vst.idx.msk $0xffff, v46;
	v50 =	vld [tilespmem:s24+$0xFFFFFF30]  }
0x43: {  	v19 =	vmovc v0;
	s29 =	simm.s32 $0xC;
	v44 =	vshll.u32 v51, v1;
	v51 =	vadd.s32 v0, v34;
	v62 =	vmul.f32 $8.000000000e+00, v62;
	v0 =	vld [tilespmem:$0x1FEE0]  }
0x44: {  	v54 =	vmov s29;
	v45 =	vshll.u32 v52, v1;
	v52 =	vld [tilespmem:s24+$0xFFFFFF70];
	v63 =	vmul.f32 $8.000000000e+00, v63  }
0x45: {  	v54 =	vshrl.u32 v54, $0x3;
	v47 =	vshll.u32 v48, v1;
	v48 =	vadd.s32 v7, v29;
	v49 =	vld [tilespmem:s24+$0xFFFFFFB0];
	[tilespmem:v39+s15+$0x0] =	vst.idx.msk $0xffff, v62  }
0x46: {  	v55 =	vadd.s32 v24, v33;
	v46 =	vshll.u32 v54, v1;
	[tilespmem:v57+s15+$0x0] =	vst.idx.msk $0xffff, v63;
	v54 =	vld [tilespmem:s24+$0xFFFFFFF0]  }
0x47: {  	v23 =	vmovc v4;
	v43 =	vshll.u32 v41, v1;
	v41 =	vadd.s32 v4, v31;
	v31 =	vmovc v7;
	v7 =	vmov v5;
	v5 =	vld [tilespmem:$0x1FEC0]  }
0x48: {  	s25 =	simm.s32 $0x10;
	s26 =	simm.s32 $0xF;
	v4 =	vmovc v2;
	v39 =	vmul.f32 $8.000000000e+00, v40;
	v40 =	vmul.f32 $8.000000000e+00, v61;
	v29 =	vld [tilespmem:$0x1FED0];
	v53 =	vadd.s32 v0, v15;
	v15 =	vmovc v3  }
.LBB2_3:
0x49: {  	_ = 	snop  }
0x4a: {  	v58 =	vld [tilespmem:s24+$0x30]  }
0x4b: {  	v37 =	vadd.s32 v15, v37;
	v0 =	vld [tilespmem:$0x1FF40];
	[tilespmem:v55+s15+$0x0] =	vst.idx.msk $0xffff, v39;
	v50 =	vmul.f32 $8.000000000e+00, v50  }
0x4c: {  	v36 =	vadd.s32 v5, v36;
	[tilespmem:v51+s15+$0x0] =	vst.idx.msk $0xffff, v40;
	v62 =	vld [tilespmem:s24+$0x70];
	v60 =	vmul.f32 $8.000000000e+00, v56  }
0x4d: {  	v57 =	vmov s26;
	v63 =	vmul.f32 $8.000000000e+00, v52;
	v52 =	vld [tilespmem:s24+$0xB0];
	s24 =	sadd.s32 $0x200, s24;
	[tilespmem:v48+s15+$0x0] =	vst.idx.msk $0xffff, v50  }
0x4e: {  	v33 =	vadd.s32 v29, v33;
	v61 =	vshrl.u32 v57, $0x3;
	v55 =	vmul.f32 $8.000000000e+00, v49;
	[tilespmem:v53+s15+$0x0] =	vst.idx.msk $0xffff, v60;
	v48 =	vld [tilespmem:s24+$0xFFFFFF00]  }
0x4f: {  	v39 =	vmov v38;
	v38 =	vshll.u32 v61, v1;
	v57 =	vmul.f32 $8.000000000e+00, v54;
	[tilespmem:v41+s15+$0x0] =	vst.idx.msk $0xffff, v63  }
0x50: {  	v35 =	vadd.s32 v21, v35;
	v34 =	vadd.s32 v26, v34;
	v40 =	vbroadcast v38, $0x0;
	[tilespmem:v37+s15+$0x0] =	vst.idx.msk $0xffff, v55;
	v53 =	vld [tilespmem:s24+$0xC0]  }
0x51: {  	v51 =	vadd.s32 v8, v39;
	v41 =	vbroadcast v47, $0x0;
	[tilespmem:v36+s15+$0x0] =	vst.idx.msk $0xffff, v57;
	v36 =	vbroadcast v45, $0x0;
	v59 =	vld [tilespmem:s24+$0xFFFFFF40]  }
0x52: {  	v47 =	vadd.s32 v27, v40;
	v60 =	vmul.f32 $8.000000000e+00, v58;
	v61 =	vld [tilespmem:s24+$0xFFFFFF80];
	v62 =	vmul.f32 $8.000000000e+00, v62  }
0x53: {  	v37 =	vbroadcast v44, $0x0;
	v58 =	vmul.f32 $8.000000000e+00, v48;
	v48 =	vadd.s32 v0, v36;
	v0 =	vld [tilespmem:$0x1FF50]  }
0x54: {  	v63 =	vld [tilespmem:s24+$0xFFFFFFC0];
	v49 =	vadd.s32 v9, v41;
	v56 =	vmul.f32 $8.000000000e+00, v52;
	[tilespmem:v33+s15+$0x0] =	vst.idx.msk $0xffff, v62  }
0x55: {  	[tilespmem:v35+s15+$0x0] =	vst.idx.msk $0xffff, v60;
	v45 =	vadd.s32 v13, v37;
	v33 =	vbroadcast v43, $0x0;
	v57 =	vmul.f32 $8.000000000e+00, v53;
	v53 =	vld [tilespmem:s24+$0x40]  }
0x56: {  	v35 =	vbroadcast v46, $0x0;
	v52 =	vld [tilespmem:s24+$0x0];
	[tilespmem:v34+s15+$0x0] =	vst.idx.msk $0xffff, v56  }
0x57: {  	v42 =	vshll.u32 v42, v1;
	v62 =	vadd.s32 v32, v33;
	v59 =	vmul.f32 $8.000000000e+00, v59;
	[tilespmem:v47+s15+$0x0] =	vst.idx.msk $0xffff, v57  }
0x58: {  	v34 =	vbroadcast v42, $0x0;
	v50 =	vld [tilespmem:s24+$0x80];
	v61 =	vmul.f32 $8.000000000e+00, v61;
	[tilespmem:v51+s15+$0x0] =	vst.idx.msk $0xffff, v58;
	v43 =	vadd.s32 v0, v35  }
0x59: {  	v63 =	vmul.f32 $8.000000000e+00, v63;
	[tilespmem:v49+s15+$0x0] =	vst.idx.msk $0xffff, v59;
	v47 =	vld [tilespmem:s24+$0xD0]  }
0x5a: {  	v60 =	vmov s25;
	v49 =	vadd.s32 v30, v34;
	[tilespmem:v45+s15+$0x0] =	vst.idx.msk $0xffff, v61;
	v51 =	vld [tilespmem:s24+$0xFFFFFF10];
	v61 =	vmul.f32 $8.000000000e+00, v53  }
0x5b: {  	v42 =	vshrl.u32 v60, $0x3;
	v60 =	vmul.f32 $8.000000000e+00, v52;
	v45 =	vadd.s32 v20, v40;
	v55 =	vld [tilespmem:s24+$0xFFFFFF50];
	[tilespmem:v48+s15+$0x0] =	vst.idx.msk $0xffff, v63  }
0x5c: {  	v56 =	vadd.s32 v7, v39;
	v57 =	vld [tilespmem:s24+$0xFFFFFF90];
	[tilespmem:v62+s15+$0x0] =	vst.idx.msk $0xffff, v61  }
0x5d: {  	s30 =	sadd.s32 $0x1, s25;
	v53 =	vadd.s32 v11, v41;
	v58 =	vld [tilespmem:s24+$0xFFFFFFD0];
	[tilespmem:v43+s15+$0x0] =	vst.idx.msk $0xffff, v60;
	v43 =	vmul.f32 $8.000000000e+00, v50  }
0x5e: {  	v54 =	vmov s30;
	v38 =	vmul.f32 $8.000000000e+00, v47;
	v50 =	vadd.s32 v14, v37;
	v60 =	vld [tilespmem:s24+$0x50]  }
0x5f: {  	s29 =	sadd.s32 $0x4, s25;
	v54 =	vshrl.u32 v54, $0x3;
	v47 =	vmul.f32 $8.000000000e+00, v51;
	v51 =	vadd.s32 v16, v36;
	v59 =	vld [tilespmem:s24+$0x10];
	[tilespmem:v49+s15+$0x0] =	vst.idx.msk $0xffff, v43  }
0x60: {  	s30 =	sadd.s32 $0x5, s25;
	v44 =	vmov s29;
	[tilespmem:v45+s15+$0x0] =	vst.idx.msk $0xffff, v38;
	v45 =	vadd.s32 v22, v33;
	v49 =	vmul.f32 $8.000000000e+00, v55;
	v61 =	vld [tilespmem:s24+$0x90]  }
0x61: {  	s31 =	sadd.s32 $0x2, s25;
	v46 =	vmov s30;
	v62 =	vmul.f32 $8.000000000e+00, v57;
	[tilespmem:v56+s15+$0x0] =	vst.idx.msk $0xffff, v47;
	v47 =	vld [tilespmem:s24+$0xE0];
	v55 =	vadd.s32 v25, v35  }
0x62: {  	s28 =	sadd.s32 $0x3, s25;
	v52 =	vmov s31;
	v56 =	vld [tilespmem:s24+$0xFFFFFF20];
	v63 =	vmul.f32 $8.000000000e+00, v58;
	[tilespmem:v53+s15+$0x0] =	vst.idx.msk $0xffff, v49;
	v53 =	vadd.s32 v6, v34  }
0x63: {  	v52 =	vshrl.u32 v52, $0x3;
	v48 =	vmov s28;
	v57 =	vld [tilespmem:s24+$0xFFFFFF60];
	[tilespmem:v50+s15+$0x0] =	vst.idx.msk $0xffff, v62;
	v49 =	vmul.f32 $8.000000000e+00, v60  }
0x64: {  	v38 =	vshll.u32 v42, v1;
	[tilespmem:v51+s15+$0x0] =	vst.idx.msk $0xffff, v63;
	v50 =	vadd.s32 v28, v40;
	v42 =	vmul.f32 $8.000000000e+00, v59;
	v59 =	vld [tilespmem:s24+$0xFFFFFFA0]  }
0x65: {  	v58 =	vadd.s32 v4, v39;
	v60 =	vshrl.u32 v44, $0x3;
	v62 =	vld [tilespmem:s24+$0xFFFFFFE0];
	[tilespmem:v45+s15+$0x0] =	vst.idx.msk $0xffff, v49;
	v44 =	vmul.f32 $8.000000000e+00, v61  }
0x66: {  	s31 =	sadd.s32 $0x6, s25;
	v0 =	vadd.s32 v18, v36;
	v48 =	vshrl.u32 v48, $0x3;
	v51 =	vadd.s32 v10, v41;
	[tilespmem:v55+s15+$0x0] =	vst.idx.msk $0xffff, v42;
	v2 =	vld [tilespmem:s24+$0x60]  }
0x67: {  	v43 =	vmov s31;
	v45 =	vmul.f32 $8.000000000e+00, v47;
	v61 =	vshrl.u32 v46, $0x3;
	v63 =	vld [tilespmem:s24+$0x20];
	[tilespmem:v53+s15+$0x0] =	vst.idx.msk $0xffff, v44  }
0x68: {  	v46 =	vadd.s32 v12, v37;
	v42 =	vshrl.u32 v43, $0x3;
	v55 =	vmul.f32 $8.000000000e+00, v56;
	v3 =	vld [tilespmem:s24+$0xA0]  }
0x69: {  	p0 =	slt.u32 s25, $0x78;
	v49 =	vmul.f32 $8.000000000e+00, v57;
	v57 =	vadd.s32 v17, v35;
	[tilespmem:v50+s15+$0x0] =	vst.idx.msk $0xffff, v45;
	v43 =	vmul.f32 $8.000000000e+00, v59;
	v59 =	vld [tilespmem:$0x1FEE0]  }
.Ltmp0:
0x6a: {  	v41 =	vadd.s32 v23, v41;
	v47 =	vshll.u32 v54, v1;
	[tilespmem:v58+s15+$0x0] =	vst.idx.msk $0xffff, v55;
	v62 =	vmul.f32 $8.000000000e+00, v62;
	v56 =	vld [tilespmem:s24+$0xF0];
	(pc) =	sbr.rel @p0 .LBB2_3-.Ltmp0, $4  }
0x6b: {  	v38 =	vbroadcast v38, $0x0;
	v55 =	vadd.s32 v24, v33;
	v44 =	vshll.u32 v52, v1;
	v50 =	vld [tilespmem:s24+$0xFFFFFF30];
	[tilespmem:v51+s15+$0x0] =	vst.idx.msk $0xffff, v49  }
0x6c: {  	v45 =	vshll.u32 v48, v1;
	v48 =	vadd.s32 v31, v39;
	[tilespmem:v0+s15+$0x0] =	vst.idx.msk $0xffff, v62;
	v52 =	vld [tilespmem:s24+$0xFFFFFF70];
	v63 =	vmul.f32 $8.000000000e+00, v63  }
0x6d: {  	v51 =	vadd.s32 v19, v34;
	[tilespmem:v46+s15+$0x0] =	vst.idx.msk $0xffff, v43;
	v46 =	vshll.u32 v60, v1;
	v39 =	vmul.f32 $8.000000000e+00, v2;
	v54 =	vld [tilespmem:s24+$0xFFFFFFF0]  }
0x6e: {  	s26 =	sadd.s32 $0x7, s25;
	s25 =	sadd.s32 $0x8, s25;
	v43 =	vshll.u32 v61, v1;
	v49 =	vld [tilespmem:s24+$0xFFFFFFB0];
	v53 =	vadd.s32 v59, v40;
	[tilespmem:v57+s15+$0x0] =	vst.idx.msk $0xffff, v63;
	v40 =	vmul.f32 $8.000000000e+00, v3  }
0x6f: {  	_ =	sdelay $0x3  }
0x70: {  	v2 =	vadd.s32 v15, v37;
	v3 =	vld [tilespmem:s24+$0x30];
	[tilespmem:v55+s15+$0x0] =	vst.idx.msk $0xffff, v39;
	v55 =	vmul.f32 $8.000000000e+00, v56  }
0x71: {  	v36 =	vadd.s32 v5, v36;
	v56 =	vmul.f32 $8.000000000e+00, v50;
	v50 =	vld [tilespmem:s24+$0x70];
	[tilespmem:v51+s15+$0x0] =	vst.idx.msk $0xffff, v40  }
0x72: {  	v35 =	vadd.s32 v21, v35;
	v57 =	vmul.f32 $8.000000000e+00, v52;
	v51 =	vld [tilespmem:s24+$0xB0];
	[tilespmem:v53+s15+$0x0] =	vst.idx.msk $0xffff, v55  }
0x73: {  	v33 =	vadd.s32 v29, v33;
	[tilespmem:v48+s15+$0x0] =	vst.idx.msk $0xffff, v56;
	v58 =	vmul.f32 $8.000000000e+00, v49  }
0x74: {  	v34 =	vadd.s32 v26, v34;
	v56 =	vmul.f32 $8.000000000e+00, v54;
	[tilespmem:v41+s15+$0x0] =	vst.idx.msk $0xffff, v57  }
0x75: {  	s31 =	sadd.s32 $0x200, s24;
	[tilespmem:v2+s15+$0x0] =	vst.idx.msk $0xffff, v58;
	v2 =	vmul.f32 $8.000000000e+00, v3  }
0x76: {  	v0 =	vmov s26;
	v37 =	vld [tilespmem:s31+$0xC0];
	[tilespmem:v36+s15+$0x0] =	vst.idx.msk $0xffff, v56;
	v58 =	vmul.f32 $8.000000000e+00, v50  }
0x77: {  	v0 =	vshrl.u32 v0, $0x3;
	v60 =	vld [tilespmem:s31+$0xFFFFFF00];
	[tilespmem:v35+s15+$0x0] =	vst.idx.msk $0xffff, v2;
	v2 =	vmul.f32 $8.000000000e+00, v51  }
0x78: {  	v0 =	vshll.u32 v0, v1;
	v57 =	vld [tilespmem:s31+$0xFFFFFF40];
	[tilespmem:v33+s15+$0x0] =	vst.idx.msk $0xffff, v58  }
0x79: {  	v62 =	vmov v5;
	v0 =	vbroadcast v0, $0x0;
	v5 =	vld [tilespmem:$0x1FF40];
	[tilespmem:v34+s15+$0x0] =	vst.idx.msk $0xffff, v2  }
0x7a: {  	v47 =	vbroadcast v47, $0x0;
	v3 =	vadd.s32 v8, v38;
	v54 =	vld [tilespmem:$0x1FF50]  }
0x7b: {  	v44 =	vbroadcast v44, $0x0;
	v39 =	vld [tilespmem:s31+$0xFFFFFF80];
	v49 =	vadd.s32 v27, v0  }
0x7c: {  	v42 =	vshll.u32 v42, v1;
	v45 =	vbroadcast v45, $0x0;
	v40 =	vadd.s32 v9, v47;
	v50 =	vld [tilespmem:s31+$0xFFFFFFC0]  }
0x7d: {  	v46 =	vbroadcast v46, $0x0;
	v60 =	vmul.f32 $8.000000000e+00, v60;
	v35 =	vadd.s32 v13, v44;
	v51 =	vld [tilespmem:s31+$0x0]  }
0x7e: {  	v43 =	vbroadcast v43, $0x0;
	v48 =	vld [tilespmem:s31+$0x40];
	v37 =	vmul.f32 $8.000000000e+00, v37;
	v36 =	vadd.s32 v5, v45  }
0x7f: {  	v42 =	vbroadcast v42, $0x0;
	v58 =	vld [tilespmem:s31+$0x80];
	v2 =	vmul.f32 $8.000000000e+00, v57;
	[tilespmem:v3+s15+$0x0] =	vst.idx.msk $0xffff, v60;
	v57 =	vadd.s32 v54, v46  }
0x80: {  	v33 =	vadd.s32 v32, v43;
	[tilespmem:v49+s15+$0x0] =	vst.idx.msk $0xffff, v37;
	v3 =	vmul.f32 $8.000000000e+00, v39;
	v60 =	vld [tilespmem:s31+$0xFFFFFF10]  }
0x81: {  	v37 =	vld [tilespmem:s31+$0xD0];
	[tilespmem:v40+s15+$0x0] =	vst.idx.msk $0xffff, v2;
	v2 =	vmul.f32 $8.000000000e+00, v50;
	v40 =	vadd.s32 v30, v42  }
0x82: {  	v50 =	vadd.s32 v7, v38;
	v49 =	vld [tilespmem:s31+$0xFFFFFF50];
	[tilespmem:v35+s15+$0x0] =	vst.idx.msk $0xffff, v3;
	v3 =	vmul.f32 $8.000000000e+00, v51  }
0x83: {  	v35 =	vadd.s32 v20, v0;
	v51 =	vld [tilespmem:s31+$0xFFFFFF90];
	[tilespmem:v36+s15+$0x0] =	vst.idx.msk $0xffff, v2;
	v2 =	vmul.f32 $8.000000000e+00, v48  }
0x84: {  	v36 =	vadd.s32 v11, v47;
	v48 =	vld [tilespmem:s31+$0xFFFFFFD0];
	[tilespmem:v57+s15+$0x0] =	vst.idx.msk $0xffff, v3;
	v3 =	vmul.f32 $8.000000000e+00, v58  }
0x85: {  	v34 =	vadd.s32 v14, v44;
	v60 =	vmul.f32 $8.000000000e+00, v60;
	[tilespmem:v33+s15+$0x0] =	vst.idx.msk $0xffff, v2;
	v53 =	vld [tilespmem:s31+$0x10]  }
0x86: {  	v2 =	vmul.f32 $8.000000000e+00, v37;
	v37 =	vadd.s32 v16, v45;
	v39 =	vld [tilespmem:s31+$0x50];
	[tilespmem:v40+s15+$0x0] =	vst.idx.msk $0xffff, v3  }
0x87: {  	[tilespmem:v50+s15+$0x0] =	vst.idx.msk $0xffff, v60;
	v3 =	vmul.f32 $8.000000000e+00, v49;
	v40 =	vadd.s32 v25, v46;
	v49 =	vld [tilespmem:s31+$0x90]  }
0x88: {  	v50 =	vld [tilespmem:s31+$0xFFFFFF20];
	v33 =	vadd.s32 v22, v43;
	[tilespmem:v35+s15+$0x0] =	vst.idx.msk $0xffff, v2;
	v2 =	vmul.f32 $8.000000000e+00, v51  }
0x89: {  	v35 =	vld [tilespmem:s31+$0xE0];
	[tilespmem:v36+s15+$0x0] =	vst.idx.msk $0xffff, v3;
	v3 =	vmul.f32 $8.000000000e+00, v48;
	v36 =	vadd.s32 v6, v42  }
0x8a: {  	v41 =	vadd.s32 v4, v38;
	[tilespmem:v34+s15+$0x0] =	vst.idx.msk $0xffff, v2;
	v48 =	vld [tilespmem:s31+$0xFFFFFF60];
	v2 =	vmul.f32 $8.000000000e+00, v53  }
0x8b: {  	v34 =	vadd.s32 v28, v0;
	v51 =	vld [tilespmem:s31+$0xFFFFFFA0];
	[tilespmem:v37+s15+$0x0] =	vst.idx.msk $0xffff, v3;
	v3 =	vmul.f32 $8.000000000e+00, v39  }
0x8c: {  	v37 =	vadd.s32 v10, v47;
	v39 =	vld [tilespmem:s31+$0xFFFFFFE0];
	[tilespmem:v40+s15+$0x0] =	vst.idx.msk $0xffff, v2;
	v2 =	vmul.f32 $8.000000000e+00, v49  }
0x8d: {  	v53 =	vmul.f32 $8.000000000e+00, v50;
	v40 =	vadd.s32 v12, v44;
	[tilespmem:v33+s15+$0x0] =	vst.idx.msk $0xffff, v3;
	v49 =	vld [tilespmem:s31+$0x20]  }
0x8e: {  	v3 =	vmul.f32 $8.000000000e+00, v35;
	v35 =	vadd.s32 v18, v45;
	v50 =	vld [tilespmem:s31+$0x60];
	[tilespmem:v36+s15+$0x0] =	vst.idx.msk $0xffff, v2  }
0x8f: {  	[tilespmem:v41+s15+$0x0] =	vst.idx.msk $0xffff, v53;
	v2 =	vmul.f32 $8.000000000e+00, v48;
	v36 =	vadd.s32 v17, v46;
	v48 =	vld [tilespmem:s31+$0xA0]  }
0x90: {  	v53 =	vadd.s32 v24, v43;
	v41 =	vld [tilespmem:s31+$0xFFFFFF30];
	[tilespmem:v34+s15+$0x0] =	vst.idx.msk $0xffff, v3;
	v3 =	vmul.f32 $8.000000000e+00, v51  }
0x91: {  	v34 =	vld [tilespmem:s31+$0xF0];
	[tilespmem:v37+s15+$0x0] =	vst.idx.msk $0xffff, v2;
	v2 =	vmul.f32 $8.000000000e+00, v39;
	v37 =	vadd.s32 v19, v42  }
0x92: {  	v38 =	vadd.s32 v31, v38;
	v39 =	vld [tilespmem:s31+$0xFFFFFF70];
	[tilespmem:v40+s15+$0x0] =	vst.idx.msk $0xffff, v3;
	v3 =	vmul.f32 $8.000000000e+00, v49  }
0x93: {  	v0 =	vadd.s32 v59, v0;
	v40 =	vld [tilespmem:s31+$0xFFFFFFB0];
	[tilespmem:v35+s15+$0x0] =	vst.idx.msk $0xffff, v2;
	v2 =	vmul.f32 $8.000000000e+00, v50  }
0x94: {  	v61 =	vmov v15;
	v35 =	vadd.s32 v23, v47;
	v47 =	vld [tilespmem:s31+$0xFFFFFFF0];
	[tilespmem:v36+s15+$0x0] =	vst.idx.msk $0xffff, v3;
	v3 =	vmul.f32 $8.000000000e+00, v48  }
0x95: {  	v50 =	vmul.f32 $8.000000000e+00, v41;
	v48 =	vadd.s32 v61, v44;
	[tilespmem:v53+s15+$0x0] =	vst.idx.msk $0xffff, v2;
	v49 =	vld [tilespmem:s31+$0x30]  }
0x96: {  	v63 =	vmov v21;
	v51 =	vadd.s32 v62, v45;
	v2 =	vmul.f32 $8.000000000e+00, v34;
	v53 =	vld [tilespmem:s31+$0x70];
	[tilespmem:v37+s15+$0x0] =	vst.idx.msk $0xffff, v3  }
0x97: {  	v59 =	vadd.s32 v63, v46;
	[tilespmem:v38+s15+$0x0] =	vst.idx.msk $0xffff, v50;
	v3 =	vmul.f32 $8.000000000e+00, v39;
	v61 =	vld [tilespmem:s31+$0xB0]  }
0x98: {  	[tilespmem:v0+s15+$0x0] =	vst.idx.msk $0xffff, v2;
	v2 =	vadd.s32 v29, v43;
	v0 =	vmul.f32 $8.000000000e+00, v40  }
0x99: {  	v63 =	vadd.s32 v26, v42;
	[tilespmem:v35+s15+$0x0] =	vst.idx.msk $0xffff, v3;
	v3 =	vmul.f32 $8.000000000e+00, v47  }
0x9a: {  	[tilespmem:v48+s15+$0x0] =	vst.idx.msk $0xffff, v0;
	v0 =	vmul.f32 $8.000000000e+00, v49  }
0x9b: {  	s25 =	sshll.u32 s21, $0x13;
	[tilespmem:v51+s15+$0x0] =	vst.idx.msk $0xffff, v3;
	v3 =	vmul.f32 $8.000000000e+00, v53  }
0x9c: {  	s24 =	sor.u32 s4, s25;
	[tilespmem:v59+s15+$0x0] =	vst.idx.msk $0xffff, v0;
	v0 =	vmul.f32 $8.000000000e+00, v61  }
0x9d: {  	s24 =	sshrl.u32 s24, $0x3;
	[tilespmem:v2+s15+$0x0] =	vst.idx.msk $0xffff, v3  }
0x9e: {  	s26 =	simm.s32 $0xA400;
	s25 =	sadd.s32 s1, s24;
	[tilespmem:v63+s15+$0x0] =	vst.idx.msk $0xffff, v0  }
0x9f: {  	[hbm4b:s25+s2] =	stream.linear.scatter [tilespmem:s26], [sflag:$0x3], $0x80, $0x38;
	[tilespmem:$0xE800] =	vst v63  }
0xa0: {  	s30 =	simm.s32 $0xA488;
	s31 =	sadd.s32 $0x10, s25  }
0xa1: {  	[hbm4b:s31+s2] =	stream.linear.scatter [tilespmem:s30], [sflag:$0x3], $0x80, $0x38;
	[tilespmem:$0xE800] =	vst v63  }
0xa2: {  	s28 =	simm.s32 $0xA7B8;
	s30 =	simm.s32 $0xA510;
	s31 =	sadd.s32 $0x20, s25  }
0xa3: {  	[hbm4b:s31+s2] =	stream.linear.scatter [tilespmem:s30], [sflag:$0x3], $0x80, $0x38;
	[tilespmem:$0xE800] =	vst v63  }
0xa4: {  	s24 =	simm.s32 $0x440;
	s30 =	simm.s32 $0xA598;
	s31 =	sadd.s32 $0x30, s25  }
0xa5: {  	[hbm4b:s31+s2] =	stream.linear.scatter [tilespmem:s30], [sflag:$0x3], $0x80, $0x38;
	[tilespmem:$0xE800] =	vst v63  }
0xa6: {  	s29 =	sadd.s32 $0x70, s25;
	s30 =	simm.s32 $0xA620;
	s31 =	sadd.s32 $0x40, s25  }
0xa7: {  	v15 =	vmov v7;
	[hbm4b:s31+s2] =	stream.linear.scatter [tilespmem:s30], [sflag:$0x3], $0x80, $0x38;
	[tilespmem:$0xE800] =	vst v63  }
0xa8: {  	v21 =	vmovc v6;
	v52 =	vmovc v8;
	v55 =	vmov v11;
	v8 =	vmov v9;
	v9 =	vmov v10;
	s26 =	simm.s32 $0x2200;
	s30 =	simm.s32 $0xA6A8;
	s31 =	sadd.s32 $0x50, s25  }
0xa9: {  	v56 =	vmovc v14;
	v7 =	vmovc v31;
	v57 =	vmov v16;
	v58 =	vmov v25;
	v60 =	vmov v4;
	[hbm4b:s31+s2] =	stream.linear.scatter [tilespmem:s30], [sflag:$0x3], $0x80, $0x38;
	[tilespmem:$0xE800] =	vst v63  }
0xaa: {  	v4 =	vmovc v20;
	v16 =	vmovc v5;
	v20 =	vmov v54;
	v25 =	vmov v12;
	v6 =	vmov v18;
	s30 =	simm.s32 $0xA730;
	s31 =	sadd.s32 $0x60, s25;
	s25 =	sadd.s32 $0x1000, s25  }
0xab: {  	v26 =	vmovc v22;
	v18 =	vmovc v28;
	v24 =	vmov v32;
	v28 =	vmov v30;
	v30 =	vmov v21;
	[hbm4b:s31+s2] =	stream.linear.scatter [tilespmem:s30], [sflag:$0x3], $0x80, $0x38;
	[tilespmem:$0xE800] =	vst v63  }
.LBB2_5:
0xac: {  	[hbm4b:s29+s2] =	stream.linear.scatter [tilespmem:s28], [sflag:$0x3], $0x80, $0x38;
	[tilespmem:$0xE800] =	vst v63  }
0xad: {  	s28 =	smov.u32 s24;
	s24 =	smov.u32 s26  }
0xae: {  	s30 =	sadd.s32 $0x1100, s26;
	s24 =	sshra.s32 s24, $0x2;
	s29 =	sadd.s32 $0xA400, s28  }
0xaf: {  	[hbm4b:s25+s2] =	stream.linear.scatter [tilespmem:s29], [sflag:$0x3], $0x80, $0x38;
	[tilespmem:$0xE800] =	vst v63  }
0xb0: {  	p0 =	sne.s32 s26, $0x7700;
	s26 =	sadd.s32 $0xA488, s28;
	s29 =	sadd.s32 $0x10, s25  }
0xb1: {  	[hbm4b:s29+s2] =	stream.linear.scatter [tilespmem:s26], [sflag:$0x3], $0x80, $0x38;
	[tilespmem:$0xE800] =	vst v63  }
0xb2: {  	s26 =	sadd.s32 $0xA510, s28;
	s29 =	sadd.s32 $0x20, s25  }
0xb3: {  	[hbm4b:s29+s2] =	stream.linear.scatter [tilespmem:s26], [sflag:$0x3], $0x80, $0x38;
	[tilespmem:$0xE800] =	vst v63  }
0xb4: {  	s26 =	sadd.s32 $0xA598, s28;
	s29 =	sadd.s32 $0x30, s25  }
0xb5: {  	[hbm4b:s29+s2] =	stream.linear.scatter [tilespmem:s26], [sflag:$0x3], $0x80, $0x38;
	[tilespmem:$0xE800] =	vst v63  }
0xb6: {  	s26 =	sadd.s32 $0xA620, s28;
	s29 =	sadd.s32 $0x40, s25  }
0xb7: {  	[hbm4b:s29+s2] =	stream.linear.scatter [tilespmem:s26], [sflag:$0x3], $0x80, $0x38;
	[tilespmem:$0xE800] =	vst v63  }
.Ltmp1:
0xb8: {  	s26 =	sadd.s32 $0xA6A8, s28;
	s29 =	sadd.s32 $0x50, s25;
	(pc) =	sbr.rel @p0 .LBB2_5-.Ltmp1, $4  }
0xb9: {  	[hbm4b:s29+s2] =	stream.linear.scatter [tilespmem:s26], [sflag:$0x3], $0x80, $0x38;
	[tilespmem:$0xE800] =	vst v63  }
0xba: {  	s26 =	sadd.s32 $0xA730, s28;
	s29 =	sadd.s32 $0x60, s25;
	s28 =	sadd.s32 $0xA7B8, s28  }
0xbb: {  	[hbm4b:s29+s2] =	stream.linear.scatter [tilespmem:s26], [sflag:$0x3], $0x80, $0x38;
	[tilespmem:$0xE800] =	vst v63  }
0xbc: {  	s29 =	sadd.s32 $0x70, s25;
	s25 =	sadd.s32 $0x1000, s25;
	s26 =	smov.u32 s30  }
0xbd: {  	[hbm4b:s29+s2] =	stream.linear.scatter [tilespmem:s28], [sflag:$0x3], $0x80, $0x38;
	[tilespmem:$0xE800] =	vst v63  }
0xbe: {  	s26 =	sadd.s32 $0xA400, s24  }
0xbf: {  	[hbm4b:s25+s2] =	stream.linear.scatter [tilespmem:s26], [sflag:$0x3], $0x80, $0x38;
	[tilespmem:$0xE800] =	vst v63  }
0xc0: {  	s31 =	sadd.s32 $0xA488, s24;
	s29 =	sadd.s32 $0x10, s25  }
0xc1: {  	[hbm4b:s29+s2] =	stream.linear.scatter [tilespmem:s31], [sflag:$0x3], $0x80, $0x38;
	[tilespmem:$0xE800] =	vst v63  }
0xc2: {  	s30 =	sadd.s32 $0xA510, s24;
	s31 =	sadd.s32 $0x20, s25  }
0xc3: {  	[hbm4b:s31+s2] =	stream.linear.scatter [tilespmem:s30], [sflag:$0x3], $0x80, $0x38;
	[tilespmem:$0xE800] =	vst v63  }
0xc4: {  	s29 =	sadd.s32 $0xA598, s24;
	s30 =	sadd.s32 $0x30, s25  }
0xc5: {  	[hbm4b:s30+s2] =	stream.linear.scatter [tilespmem:s29], [sflag:$0x3], $0x80, $0x38;
	[tilespmem:$0xE800] =	vst v63  }
0xc6: {  	s31 =	sadd.s32 $0xA620, s24;
	s29 =	sadd.s32 $0x40, s25  }
0xc7: {  	[hbm4b:s29+s2] =	stream.linear.scatter [tilespmem:s31], [sflag:$0x3], $0x80, $0x38;
	[tilespmem:$0xE800] =	vst v63  }
0xc8: {  	p0 =	seq.s32 s21, $0x63;
	s30 =	sadd.s32 $0xA6A8, s24;
	s31 =	sadd.s32 $0x50, s25  }
0xc9: {  	[hbm4b:s31+s2] =	stream.linear.scatter [tilespmem:s30], [sflag:$0x3], $0x80, $0x38;
	[tilespmem:$0xE800] =	vst v63  }
0xca: {  	s28 =	simm.s32 $0x0;
	s29 =	sadd.s32 $0xA730, s24;
	s30 =	sadd.s32 $0x60, s25  }
0xcb: {  	[hbm4b:s30+s2] =	stream.linear.scatter [tilespmem:s29], [sflag:$0x3], $0x80, $0x38;
	[tilespmem:$0xE800] =	vst v63  }
0xcc: {  	p1 =	seq.s32 @!p0 s21, $0x0;
	s26 =	sadd.s32 $0x70, s25;
	s31 =	sadd.s32 $0xA7B8, s24  }
0xcd: {  	[hbm4b:s26+s2] =	stream.linear.scatter [tilespmem:s31], [sflag:$0x3], $0x80, $0x38;
	[tilespmem:$0xE800] =	vst v63  }
0xce: {  	s23 =	sadd.s32 @!p0 $0x100, s23;
	v0 =	vmov s28;
	s28 =	simm.s32 $0x5;
	_ =	swait.ge [sflag:s16], $0x2000  }
0xcf: {  	s23 =	sand.u32 @!p0 $0xFF00, s23;
	v0 =	vshrl.u32 v0, $0x3;
	s24 =	simm.s32 @!p0 $0x80;
	[sflag:s16] =	ssyncset.done $0x0  }
0xd0: {  	v35 =	vmov s28;
	v0 =	vshll.u32 v0, v1;
	s25 =	simm.s32 @!p0 $0x6400;
	s30 =	simm.s32 $0x2;
	[sflag:s16] =	ssyncadd.s32 $0xFFFFE000  }
0xd1: {  	v35 =	vshrl.u32 v35, $0x3;
	v39 =	vbroadcast v0, $0x0;
	[tilespmem:s25], [sflag:$0x1] =	stream.indirect.gather @!p0 [hbm4b:s5+s24], $0x40, s23, s24, $0xb8;
	[tilespmem:$0xE800] =	vst v63  }
0xd2: {  	v43 =	vshll.u32 v35, v1;
	s29 =	simm.s32 $0x1;
	v3 =	vmov s30;
	s30 =	simm.s32 $0x7;
	p0 =	por p0, !p1  }
0xd3: {  	v44 =	vadd.s32 v52, v39;
	v2 =	vmov s29;
	s29 =	simm.s32 $0x6;
	v37 =	vmov s30;
	_ =	swait.ge @p0 [sflag:s19], $0x2000  }
0xd4: {  	s31 =	simm.s32 $0x3;
	v36 =	vmov s29;
	v2 =	vshrl.u32 v2, $0x3;
	v37 =	vshrl.u32 v37, $0x3;
	[sflag:s19] =	ssyncset.done @p0 $0x0  }
0xd5: {  	s26 =	simm.s32 $0x4;
	v3 =	vshrl.u32 v3, $0x3;
	v33 =	vmov s31;
	v37 =	vshll.u32 v37, v1;
	s23 =	simm.s32 $0x8500;
	[sflag:s19] =	ssyncadd.s32 @p0 $0xFFFFE000  }
0xd6: {  	v34 =	vmov s26;
	v36 =	vshrl.u32 v36, $0x3;
	v41 =	vbroadcast v37, $0x0;
	v0 =	vld [tilespmem:s23+$0xC0]  }
0xd7: {  	v2 =	vshll.u32 v2, v1;
	v3 =	vshll.u32 v3, v1;
	v33 =	vshrl.u32 v33, $0x3;
	v38 =	vld [tilespmem:s23+$0xFFFFFF00]  }
0xd8: {  	v34 =	vshrl.u32 v34, $0x3;
	v21 =	vbroadcast v2, $0x0;
	v2 =	vadd.s32 v27, v41;
	v42 =	vld [tilespmem:s23+$0xFFFFFF40]  }
0xd9: {  	v33 =	vshll.u32 v33, v1;
	v34 =	vshll.u32 v34, v1;
	v37 =	vbroadcast v3, $0x0;
	v45 =	vld [tilespmem:s23+$0xFFFFFF80]  }
0xda: {  	v3 =	vshll.u32 v36, v1;
	v46 =	vadd.s32 v8, v21;
	v36 =	vbroadcast v33, $0x0;
	v47 =	vld [tilespmem:s23+$0xFFFFFFC0]  }
0xdb: {  	v35 =	vbroadcast v34, $0x0;
	v48 =	vadd.s32 v13, v37;
	v49 =	vld [tilespmem:s23+$0x0];
	v0 =	vmul.f32 $8.000000000e+00, v0  }
0xdc: {  	v33 =	vbroadcast v43, $0x0;
	v50 =	vadd.s32 v16, v36;
	v51 =	vld [tilespmem:s23+$0x40];
	v38 =	vmul.f32 $8.000000000e+00, v38  }
0xdd: {  	v19 =	vmovc v52;
	v34 =	vbroadcast v3, $0x0;
	v43 =	vadd.s32 v20, v35;
	v52 =	vld [tilespmem:s23+$0x80];
	v42 =	vmul.f32 $8.000000000e+00, v42;
	[tilespmem:v2+s17+$0x0] =	vst.idx.msk $0xffff, v0  }
0xde: {  	v3 =	vadd.s32 v24, v33;
	[tilespmem:v44+s17+$0x0] =	vst.idx.msk $0xffff, v38;
	v2 =	vmul.f32 $8.000000000e+00, v45;
	v38 =	vld [tilespmem:s23+$0xD0]  }
0xdf: {  	v61 =	vadd.s32 v28, v34;
	v59 =	vmul.f32 $8.000000000e+00, v47;
	[tilespmem:v46+s17+$0x0] =	vst.idx.msk $0xffff, v42;
	v44 =	vld [tilespmem:s23+$0xFFFFFF10]  }
0xe0: {  	v5 =	vmov v62;
	v62 =	vld [tilespmem:s23+$0xFFFFFF50];
	[tilespmem:v48+s17+$0x0] =	vst.idx.msk $0xffff, v2;
	v2 =	vmul.f32 $8.000000000e+00, v49;
	v48 =	vadd.s32 v4, v41  }
0xe1: {  	v53 =	vadd.s32 v15, v39;
	v63 =	vmul.f32 $8.000000000e+00, v51;
	[tilespmem:v50+s17+$0x0] =	vst.idx.msk $0xffff, v59;
	v54 =	vld [tilespmem:s23+$0xFFFFFF90]  }
0xe2: {  	v11 =	vmov v55;
	v51 =	vadd.s32 v55, v21;
	v55 =	vld [tilespmem:s23+$0xFFFFFFD0];
	[tilespmem:v43+s17+$0x0] =	vst.idx.msk $0xffff, v2;
	v2 =	vmul.f32 $8.000000000e+00, v52  }
0xe3: {  	v14 =	vmovc v13;
	v13 =	vmov v56;
	[tilespmem:v3+s17+$0x0] =	vst.idx.msk $0xffff, v63;
	v52 =	vadd.s32 v56, v37;
	v56 =	vld [tilespmem:s23+$0x10];
	v3 =	vmul.f32 $8.000000000e+00, v38  }
0xe4: {  	v17 =	vmov v57;
	v42 =	vmul.f32 $8.000000000e+00, v44;
	v44 =	vadd.s32 v57, v36;
	v57 =	vld [tilespmem:s23+$0x50];
	[tilespmem:v61+s17+$0x0] =	vst.idx.msk $0xffff, v2  }
0xe5: {  	v61 =	vmul.f32 $8.000000000e+00, v62;
	v62 =	vadd.s32 v58, v35;
	v63 =	vld [tilespmem:s23+$0x90];
	[tilespmem:v48+s17+$0x0] =	vst.idx.msk $0xffff, v3  }
0xe6: {  	[tilespmem:v53+s17+$0x0] =	vst.idx.msk $0xffff, v42;
	v3 =	vmul.f32 $8.000000000e+00, v54;
	v42 =	vadd.s32 v26, v33  }
0xe7: {  	v40 =	vmul.f32 $8.000000000e+00, v55;
	[tilespmem:v51+s17+$0x0] =	vst.idx.msk $0xffff, v61;
	v51 =	vadd.s32 v30, v34;
	v48 =	vld [tilespmem:s23+$0xE0]  }
0xe8: {  	s28 =	simm.s32 $0xB;
	v53 =	vld [tilespmem:s23+$0xFFFFFF20];
	[tilespmem:v52+s17+$0x0] =	vst.idx.msk $0xffff, v3;
	v3 =	vmul.f32 $8.000000000e+00, v56  }
0xe9: {  	v50 =	vmov s28;
	v54 =	vld [tilespmem:s23+$0xFFFFFF60];
	v52 =	vadd.s32 v18, v41;
	[tilespmem:v44+s17+$0x0] =	vst.idx.msk $0xffff, v40;
	v44 =	vmul.f32 $8.000000000e+00, v57  }
0xea: {  	s31 =	simm.s32 $0x8;
	v59 =	vshrl.u32 v50, $0x3;
	v50 =	vadd.s32 v60, v39;
	v55 =	vld [tilespmem:s23+$0xFFFFFFA0];
	[tilespmem:v62+s17+$0x0] =	vst.idx.msk $0xffff, v3;
	v3 =	vmul.f32 $8.000000000e+00, v63  }
0xeb: {  	v0 =	vmov s31;
	s31 =	simm.s32 $0xE;
	v57 =	vld [tilespmem:s23+$0xFFFFFFE0];
	[tilespmem:v42+s17+$0x0] =	vst.idx.msk $0xffff, v44  }
0xec: {  	v2 =	vmov s31;
	v61 =	vld [tilespmem:s23+$0x20];
	v56 =	vmul.f32 $8.000000000e+00, v48;
	[tilespmem:v51+s17+$0x0] =	vst.idx.msk $0xffff, v3  }
0xed: {  	v12 =	vmovc v23;
	v45 =	vadd.s32 v9, v21;
	v42 =	vshrl.u32 v2, $0x3;
	v2 =	vmul.f32 $8.000000000e+00, v53;
	v23 =	vld [tilespmem:$0x1FF90]  }
0xee: {  	v29 =	vmov v60;
	s30 =	simm.s32 $0xD;
	v0 =	vshrl.u32 v0, $0x3;
	v60 =	vadd.s32 v25, v37;
	v63 =	vld [tilespmem:s23+$0x60];
	[tilespmem:v52+s17+$0x0] =	vst.idx.msk $0xffff, v56  }
0xef: {  	v32 =	vmovc v27;
	v22 =	vmov v58;
	v0 =	vshll.u32 v0, v1;
	v38 =	vmov s30;
	v40 =	vld [tilespmem:s23+$0xA0];
	[tilespmem:v50+s17+$0x0] =	vst.idx.msk $0xffff, v2  }
0xf0: {  	v27 =	vmovc v25;
	v25 =	vmovc v26;
	v58 =	vshrl.u32 v38, $0x3;
	v38 =	vbroadcast v0, $0x0;
	v0 =	vmul.f32 $8.000000000e+00, v54;
	v26 =	vld [tilespmem:$0x1FFA0]  }
0xf1: {  	v62 =	vadd.s32 v6, v36;
	v2 =	vmul.f32 $8.000000000e+00, v55;
	v56 =	vld [tilespmem:s23+$0xF0]  }
0xf2: {  	v50 =	vld [tilespmem:s23+$0xFFFFFF30];
	[tilespmem:v45+s17+$0x0] =	vst.idx.msk $0xffff, v0;
	v3 =	vadd.s32 v23, v35  }
0xf3: {  	s26 =	simm.s32 $0xA;
	v31 =	vld [tilespmem:$0x1FFB0];
	[tilespmem:v60+s17+$0x0] =	vst.idx.msk $0xffff, v2  }
0xf4: {  	v49 =	vmov s26;
	v18 =	vmov v6;
	v0 =	vmul.f32 $8.000000000e+00, v57;
	v6 =	vld [tilespmem:$0x1FEE0]  }
0xf5: {  	s29 =	simm.s32 $0xC;
	s25 =	simm.s32 $0x9;
	v49 =	vshrl.u32 v49, $0x3;
	v52 =	vld [tilespmem:s23+$0xFFFFFF70];
	v2 =	vmul.f32 $8.000000000e+00, v61  }
0xf6: {  	v46 =	vmov s25;
	v43 =	vmov s29;
	v44 =	vshll.u32 v49, v1;
	v49 =	vld [tilespmem:s23+$0xFFFFFFB0];
	[tilespmem:v62+s17+$0x0] =	vst.idx.msk $0xffff, v0  }
0xf7: {  	v46 =	vshrl.u32 v46, $0x3;
	v43 =	vshrl.u32 v43, $0x3;
	v54 =	vld [tilespmem:s23+$0xFFFFFFF0];
	[tilespmem:v3+s17+$0x0] =	vst.idx.msk $0xffff, v2  }
0xf8: {  	v10 =	vmovc v9;
	v47 =	vshll.u32 v46, v1;
	v46 =	vshll.u32 v43, v1;
	v48 =	vadd.s32 v7, v39;
	v7 =	vld [tilespmem:$0x1FEF0]  }
0xf9: {  	v9 =	vmovc v11;
	v55 =	vadd.s32 v26, v33;
	v53 =	vadd.s32 v6, v41;
	v41 =	vadd.s32 v12, v21;
	v21 =	vld [tilespmem:$0x1FF00]  }
0xfa: {  	v43 =	vshll.u32 v58, v1;
	v45 =	vshll.u32 v59, v1;
	v51 =	vadd.s32 v31, v34;
	v6 =	vmovc v19;
	v19 =	vld [tilespmem:$0x1FED0]  }
0xfb: {  	s24 =	simm.s32 $0x10;
	s25 =	simm.s32 $0xF;
	v39 =	vmul.f32 $8.000000000e+00, v63;
	v40 =	vmul.f32 $8.000000000e+00, v40;
	v12 =	vmovc v14;
	v14 =	vmovc v27;
	v27 =	vmov v5;
	v11 =	vld [tilespmem:$0x1FF70]  }
.LBB2_7:
0xfc: {  	_ = 	snop  }
0xfd: {  	v3 =	vld [tilespmem:s23+$0x30]  }
0xfe: {  	v0 =	vmov s25;
	v2 =	vadd.s32 v7, v37;
	v4 =	vld [tilespmem:$0x1FFC0];
	[tilespmem:v55+s17+$0x0] =	vst.idx.msk $0xffff, v39;
	v63 =	vmul.f32 $8.000000000e+00, v56  }
0xff: {  	v36 =	vadd.s32 v27, v36;
	v0 =	vshrl.u32 v0, $0x3;
	[tilespmem:v51+s17+$0x0] =	vst.idx.msk $0xffff, v40;
	v57 =	vld [tilespmem:s23+$0x70];
	v56 =	vmul.f32 $8.000000000e+00, v50  }
0x100: {  	v35 =	vadd.s32 v21, v35;
	v0 =	vshll.u32 v0, v1;
	v59 =	vld [tilespmem:s23+$0xB0];
	s23 =	sadd.s32 $0x200, s23;
	v58 =	vmul.f32 $8.000000000e+00, v52;
	[tilespmem:v53+s17+$0x0] =	vst.idx.msk $0xffff, v63  }
0x101: {  	v33 =	vadd.s32 v19, v33;
	v40 =	vbroadcast v0, $0x0;
	v0 =	vmul.f32 $8.000000000e+00, v49;
	[tilespmem:v48+s17+$0x0] =	vst.idx.msk $0xffff, v56;
	v53 =	vld [tilespmem:s23+$0xC0]  }
0x102: {  	v34 =	vadd.s32 v11, v34;
	v39 =	vmov v38;
	v61 =	vmul.f32 $8.000000000e+00, v54;
	[tilespmem:v41+s17+$0x0] =	vst.idx.msk $0xffff, v58;
	v38 =	vld [tilespmem:s23+$0xFFFFFF00]  }
0x103: {  	v41 =	vbroadcast v47, $0x0;
	v63 =	vadd.s32 v32, v40;
	[tilespmem:v2+s17+$0x0] =	vst.idx.msk $0xffff, v0;
	v0 =	vmul.f32 $8.000000000e+00, v3;
	v62 =	vld [tilespmem:s23+$0xFFFFFF40]  }
0x104: {  	v2 =	vadd.s32 v6, v39;
	[tilespmem:v36+s17+$0x0] =	vst.idx.msk $0xffff, v61;
	v3 =	vld [tilespmem:s23+$0xFFFFFF80];
	v60 =	vmul.f32 $8.000000000e+00, v57  }
0x105: {  	v37 =	vbroadcast v44, $0x0;
	v61 =	vld [tilespmem:s23+$0xFFFFFFC0];
	v48 =	vadd.s32 v8, v41;
	[tilespmem:v35+s17+$0x0] =	vst.idx.msk $0xffff, v0;
	v0 =	vmul.f32 $8.000000000e+00, v59  }
0x106: {  	v42 =	vshll.u32 v42, v1;
	v36 =	vbroadcast v45, $0x0;
	v51 =	vld [tilespmem:s23+$0x0];
	[tilespmem:v33+s17+$0x0] =	vst.idx.msk $0xffff, v60;
	v56 =	vmul.f32 $8.000000000e+00, v53  }
0x107: {  	v45 =	vadd.s32 v12, v37;
	v35 =	vbroadcast v46, $0x0;
	v57 =	vld [tilespmem:s23+$0x40];
	[tilespmem:v34+s17+$0x0] =	vst.idx.msk $0xffff, v0;
	v38 =	vmul.f32 $8.000000000e+00, v38  }
0x108: {  	v44 =	vadd.s32 v16, v36;
	v33 =	vbroadcast v43, $0x0;
	v59 =	vld [tilespmem:s23+$0x80];
	v0 =	vmul.f32 $8.000000000e+00, v62;
	[tilespmem:v63+s17+$0x0] =	vst.idx.msk $0xffff, v56  }
0x109: {  	v58 =	vadd.s32 v20, v35;
	v34 =	vbroadcast v42, $0x0;
	[tilespmem:v2+s17+$0x0] =	vst.idx.msk $0xffff, v38;
	v63 =	vld [tilespmem:s23+$0xD0]  }
0x10a: {  	v2 =	vmul.f32 $8.000000000e+00, v3;
	v3 =	vadd.s32 v24, v33;
	[tilespmem:v48+s17+$0x0] =	vst.idx.msk $0xffff, v0;
	v60 =	vld [tilespmem:s23+$0xFFFFFF10]  }
0x10b: {  	v47 =	vadd.s32 v28, v34;
	v0 =	vmul.f32 $8.000000000e+00, v61;
	v61 =	vld [tilespmem:s23+$0xFFFFFF50]  }
0x10c: {  	v62 =	vmov s24;
	[tilespmem:v45+s17+$0x0] =	vst.idx.msk $0xffff, v2;
	v2 =	vmul.f32 $8.000000000e+00, v51;
	v45 =	vadd.s32 v4, v40;
	v4 =	vld [tilespmem:$0x1FFE0]  }
0x10d: {  	v53 =	vadd.s32 v15, v39;
	v42 =	vshrl.u32 v62, $0x3;
	[tilespmem:v44+s17+$0x0] =	vst.idx.msk $0xffff, v0;
	v0 =	vmul.f32 $8.000000000e+00, v57;
	v62 =	vld [tilespmem:s23+$0xFFFFFF90]  }
0x10e: {  	v52 =	vadd.s32 v9, v41;
	v55 =	vld [tilespmem:s23+$0xFFFFFFD0];
	[tilespmem:v58+s17+$0x0] =	vst.idx.msk $0xffff, v2;
	v2 =	vmul.f32 $8.000000000e+00, v59  }
0x10f: {  	v49 =	vadd.s32 v13, v37;
	v56 =	vld [tilespmem:s23+$0x10];
	[tilespmem:v3+s17+$0x0] =	vst.idx.msk $0xffff, v0;
	v0 =	vmul.f32 $8.000000000e+00, v63  }
0x110: {  	v63 =	vmul.f32 $8.000000000e+00, v60;
	v60 =	vadd.s32 v17, v36;
	v57 =	vld [tilespmem:s23+$0x50];
	[tilespmem:v47+s17+$0x0] =	vst.idx.msk $0xffff, v2  }
0x111: {  	v50 =	vadd.s32 v22, v35;
	v61 =	vmul.f32 $8.000000000e+00, v61;
	v58 =	vld [tilespmem:s23+$0x90];
	[tilespmem:v45+s17+$0x0] =	vst.idx.msk $0xffff, v0  }
0x112: {  	v0 =	vshll.u32 v42, v1;
	[tilespmem:v53+s17+$0x0] =	vst.idx.msk $0xffff, v63;
	v62 =	vmul.f32 $8.000000000e+00, v62;
	v42 =	vadd.s32 v25, v33;
	v45 =	vld [tilespmem:s23+$0xE0]  }
0x113: {  	s28 =	sadd.s32 $0x3, s24;
	[tilespmem:v52+s17+$0x0] =	vst.idx.msk $0xffff, v61;
	v63 =	vmul.f32 $8.000000000e+00, v55;
	v52 =	vadd.s32 v30, v34;
	v53 =	vld [tilespmem:s23+$0xFFFFFF20]  }
0x114: {  	v44 =	vmov s28;
	v54 =	vld [tilespmem:s23+$0xFFFFFF60];
	[tilespmem:v49+s17+$0x0] =	vst.idx.msk $0xffff, v62;
	v38 =	vmul.f32 $8.000000000e+00, v56;
	v49 =	vadd.s32 v4, v40  }
0x115: {  	s31 =	sadd.s32 $0x1, s24;
	v59 =	vshrl.u32 v44, $0x3;
	v44 =	vadd.s32 v29, v39;
	v55 =	vld [tilespmem:s23+$0xFFFFFFA0];
	[tilespmem:v60+s17+$0x0] =	vst.idx.msk $0xffff, v63;
	v46 =	vmul.f32 $8.000000000e+00, v57  }
0x116: {  	v48 =	vmov s31;
	s31 =	sadd.s32 $0x6, s24;
	v57 =	vadd.s32 v10, v41;
	v60 =	vld [tilespmem:s23+$0xFFFFFFE0];
	[tilespmem:v50+s17+$0x0] =	vst.idx.msk $0xffff, v38;
	v50 =	vmul.f32 $8.000000000e+00, v58  }
0x117: {  	v2 =	vmov s31;
	v58 =	vadd.s32 v14, v37;
	v61 =	vld [tilespmem:s23+$0x20];
	[tilespmem:v42+s17+$0x0] =	vst.idx.msk $0xffff, v46;
	v45 =	vmul.f32 $8.000000000e+00, v45  }
0x118: {  	v62 =	vadd.s32 v18, v36;
	v42 =	vshrl.u32 v2, $0x3;
	v2 =	vmul.f32 $8.000000000e+00, v53;
	[tilespmem:v52+s17+$0x0] =	vst.idx.msk $0xffff, v50  }
0x119: {  	v38 =	vbroadcast v0, $0x0;
	v63 =	vld [tilespmem:s23+$0x60];
	v0 =	vmul.f32 $8.000000000e+00, v54;
	[tilespmem:v49+s17+$0x0] =	vst.idx.msk $0xffff, v45  }
0x11a: {  	s29 =	sadd.s32 $0x4, s24;
	v5 =	vld [tilespmem:s23+$0xA0];
	[tilespmem:v44+s17+$0x0] =	vst.idx.msk $0xffff, v2;
	v2 =	vmul.f32 $8.000000000e+00, v55  }
0x11b: {  	v43 =	vmov s29;
	[tilespmem:v57+s17+$0x0] =	vst.idx.msk $0xffff, v0;
	v0 =	vmul.f32 $8.000000000e+00, v60;
	v60 =	vld [tilespmem:$0x1FEE0]  }
0x11c: {  	s26 =	sadd.s32 $0x2, s24;
	s30 =	sadd.s32 $0x5, s24;
	v43 =	vshrl.u32 v43, $0x3;
	[tilespmem:v58+s17+$0x0] =	vst.idx.msk $0xffff, v2;
	v2 =	vmul.f32 $8.000000000e+00, v61;
	v61 =	vld [tilespmem:$0x1FFF0]  }
0x11d: {  	p0 =	slt.u32 s24, $0x78;
	v51 =	vmov s26;
	v3 =	vmov s30;
	v4 =	vadd.s32 v23, v35;
	[tilespmem:v62+s17+$0x0] =	vst.idx.msk $0xffff, v0;
	v0 =	vld [tilespmem:$0x1FFD0]  }
.Ltmp2:
0x11e: {  	v48 =	vshrl.u32 v48, $0x3;
	v51 =	vshrl.u32 v51, $0x3;
	v3 =	vshrl.u32 v3, $0x3;
	v56 =	vld [tilespmem:s23+$0xF0];
	(pc) =	sbr.rel @p0 .LBB2_7-.Ltmp2, $4  }
0x11f: {  	v47 =	vshll.u32 v48, v1;
	v46 =	vshll.u32 v43, v1;
	v43 =	vshll.u32 v3, v1;
	v50 =	vld [tilespmem:s23+$0xFFFFFF30]  }
0x120: {  	v55 =	vadd.s32 v26, v33;
	v44 =	vshll.u32 v51, v1;
	v51 =	vadd.s32 v31, v34;
	v52 =	vld [tilespmem:s23+$0xFFFFFF70]  }
0x121: {  	v45 =	vshll.u32 v59, v1;
	v49 =	vld [tilespmem:s23+$0xFFFFFFB0];
	v53 =	vadd.s32 v60, v40;
	v40 =	vmul.f32 $8.000000000e+00, v5  }
0x122: {  	s25 =	sadd.s32 $0x7, s24;
	s24 =	sadd.s32 $0x8, s24;
	v54 =	vld [tilespmem:s23+$0xFFFFFFF0];
	[tilespmem:v4+s17+$0x0] =	vst.idx.msk $0xffff, v2;
	v48 =	vadd.s32 v61, v39;
	v39 =	vmul.f32 $8.000000000e+00, v63;
	v41 =	vadd.s32 v0, v41  }
0x123: {  	_ =	sdelay $0x3  }
0x124: {  	v0 =	vmov s25;
	v2 =	vadd.s32 v7, v37;
	v3 =	vld [tilespmem:s23+$0x30];
	v4 =	vmul.f32 $8.000000000e+00, v56;
	[tilespmem:v55+s17+$0x0] =	vst.idx.msk $0xffff, v39  }
0x125: {  	v36 =	vadd.s32 v27, v36;
	[tilespmem:v51+s17+$0x0] =	vst.idx.msk $0xffff, v40;
	v0 =	vshrl.u32 v0, $0x3;
	v5 =	vmul.f32 $8.000000000e+00, v50;
	v63 =	vld [tilespmem:s23+$0x70]  }
0x126: {  	v35 =	vadd.s32 v21, v35;
	s24 =	sadd.s32 $0x200, s23;
	v40 =	vld [tilespmem:s23+$0xB0];
	v0 =	vshll.u32 v0, v1;
	v52 =	vmul.f32 $8.000000000e+00, v52;
	[tilespmem:v53+s17+$0x0] =	vst.idx.msk $0xffff, v4  }
0x127: {  	v33 =	vadd.s32 v19, v33;
	v4 =	vld [tilespmem:s24+$0xC0];
	v0 =	vbroadcast v0, $0x0;
	[tilespmem:v48+s17+$0x0] =	vst.idx.msk $0xffff, v5;
	v5 =	vmul.f32 $8.000000000e+00, v49  }
0x128: {  	v34 =	vadd.s32 v11, v34;
	v55 =	vld [tilespmem:s24+$0xFFFFFF00];
	[tilespmem:v41+s17+$0x0] =	vst.idx.msk $0xffff, v52;
	v56 =	vmul.f32 $8.000000000e+00, v54  }
0x129: {  	v47 =	vbroadcast v47, $0x0;
	v57 =	vld [tilespmem:s24+$0xFFFFFF40];
	v58 =	vadd.s32 v32, v0;
	[tilespmem:v2+s17+$0x0] =	vst.idx.msk $0xffff, v5;
	v2 =	vmul.f32 $8.000000000e+00, v3  }
0x12a: {  	v44 =	vbroadcast v44, $0x0;
	v3 =	vadd.s32 v6, v38;
	v5 =	vld [tilespmem:s24+$0xFFFFFF80];
	[tilespmem:v36+s17+$0x0] =	vst.idx.msk $0xffff, v56;
	v61 =	vmul.f32 $8.000000000e+00, v63  }
0x12b: {  	v62 =	vadd.s32 v8, v47;
	[tilespmem:v35+s17+$0x0] =	vst.idx.msk $0xffff, v2;
	v2 =	vmul.f32 $8.000000000e+00, v40  }
0x12c: {  	v8 =	vadd.s32 v12, v44;
	v4 =	vmul.f32 $8.000000000e+00, v4;
	[tilespmem:v33+s17+$0x0] =	vst.idx.msk $0xffff, v61  }
0x12d: {  	v53 =	vmul.f32 $8.000000000e+00, v55;
	[tilespmem:v34+s17+$0x0] =	vst.idx.msk $0xffff, v2  }
0x12e: {  	v2 =	vmul.f32 $8.000000000e+00, v57;
	[tilespmem:v58+s17+$0x0] =	vst.idx.msk $0xffff, v4  }
0x12f: {  	v52 =	vld [tilespmem:s24+$0x0];
	[tilespmem:v3+s17+$0x0] =	vst.idx.msk $0xffff, v53;
	v3 =	vmul.f32 $8.000000000e+00, v5  }
0x130: {  	v45 =	vbroadcast v45, $0x0;
	v63 =	vld [tilespmem:s24+$0xFFFFFFC0];
	[tilespmem:v62+s17+$0x0] =	vst.idx.msk $0xffff, v2  }
0x131: {  	v46 =	vbroadcast v46, $0x0;
	v55 =	vld [tilespmem:s24+$0x40];
	[tilespmem:v8+s17+$0x0] =	vst.idx.msk $0xffff, v3  }
0x132: {  	v42 =	vshll.u32 v42, v1;
	v43 =	vbroadcast v43, $0x0;
	v54 =	vadd.s32 v16, v45;
	v6 =	vld [tilespmem:$0x1FFC0]  }
0x133: {  	v42 =	vbroadcast v42, $0x0;
	v60 =	vadd.s32 v20, v46;
	v61 =	vld [tilespmem:s24+$0x80]  }
0x134: {  	v4 =	vadd.s32 v24, v43;
	v33 =	vld [tilespmem:s24+$0xFFFFFF10]  }
0x135: {  	v5 =	vld [tilespmem:s24+$0xD0];
	v62 =	vadd.s32 v28, v42;
	v2 =	vmul.f32 $8.000000000e+00, v63  }
0x136: {  	v40 =	vadd.s32 v15, v38;
	v63 =	vld [tilespmem:s24+$0xFFFFFF50];
	v3 =	vmul.f32 $8.000000000e+00, v52  }
0x137: {  	v8 =	vld [tilespmem:s24+$0xFFFFFF90];
	[tilespmem:v54+s17+$0x0] =	vst.idx.msk $0xffff, v2;
	v2 =	vmul.f32 $8.000000000e+00, v55;
	v35 =	vadd.s32 v6, v0  }
0x138: {  	v12 =	vmov v9;
	v9 =	vadd.s32 v9, v47;
	[tilespmem:v60+s17+$0x0] =	vst.idx.msk $0xffff, v3;
	v3 =	vmul.f32 $8.000000000e+00, v61  }
0x139: {  	v53 =	vadd.s32 v13, v44;
	[tilespmem:v4+s17+$0x0] =	vst.idx.msk $0xffff, v2;
	v4 =	vmul.f32 $8.000000000e+00, v33  }
0x13a: {  	v2 =	vmul.f32 $8.000000000e+00, v5;
	[tilespmem:v62+s17+$0x0] =	vst.idx.msk $0xffff, v3  }
0x13b: {  	v3 =	vmul.f32 $8.000000000e+00, v63;
	[tilespmem:v40+s17+$0x0] =	vst.idx.msk $0xffff, v4  }
0x13c: {  	v52 =	vld [tilespmem:s24+$0xFFFFFFD0];
	[tilespmem:v35+s17+$0x0] =	vst.idx.msk $0xffff, v2;
	v2 =	vmul.f32 $8.000000000e+00, v8  }
0x13d: {  	v54 =	vld [tilespmem:s24+$0x10];
	[tilespmem:v9+s17+$0x0] =	vst.idx.msk $0xffff, v3  }
0x13e: {  	v55 =	vld [tilespmem:s24+$0x50];
	[tilespmem:v53+s17+$0x0] =	vst.idx.msk $0xffff, v2  }
0x13f: {  	v5 =	vadd.s32 v17, v45;
	v63 =	vld [tilespmem:$0x1FFE0]  }
0x140: {  	v37 =	vadd.s32 v22, v46;
	v57 =	vld [tilespmem:s24+$0x90]  }
0x141: {  	v4 =	vadd.s32 v25, v43;
	v40 =	vld [tilespmem:s24+$0xFFFFFF20]  }
0x142: {  	v36 =	vadd.s32 v30, v42;
	v3 =	vmul.f32 $8.000000000e+00, v52;
	v35 =	vld [tilespmem:s24+$0xE0]  }
0x143: {  	v41 =	vadd.s32 v29, v38;
	v48 =	vld [tilespmem:s24+$0xFFFFFF60];
	v2 =	vmul.f32 $8.000000000e+00, v54  }
0x144: {  	v8 =	vld [tilespmem:s24+$0xFFFFFFA0];
	[tilespmem:v5+s17+$0x0] =	vst.idx.msk $0xffff, v3;
	v3 =	vmul.f32 $8.000000000e+00, v55;
	v34 =	vadd.s32 v63, v0  }
0x145: {  	v5 =	vadd.s32 v10, v47;
	[tilespmem:v37+s17+$0x0] =	vst.idx.msk $0xffff, v2;
	v2 =	vmul.f32 $8.000000000e+00, v57  }
0x146: {  	v53 =	vmov v10;
	v10 =	vadd.s32 v14, v44;
	[tilespmem:v4+s17+$0x0] =	vst.idx.msk $0xffff, v3;
	v4 =	vmul.f32 $8.000000000e+00, v40  }
0x147: {  	v3 =	vmul.f32 $8.000000000e+00, v35;
	[tilespmem:v36+s17+$0x0] =	vst.idx.msk $0xffff, v2  }
0x148: {  	v2 =	vmul.f32 $8.000000000e+00, v48;
	[tilespmem:v41+s17+$0x0] =	vst.idx.msk $0xffff, v4  }
0x149: {  	v9 =	vld [tilespmem:s24+$0xFFFFFFE0];
	[tilespmem:v34+s17+$0x0] =	vst.idx.msk $0xffff, v3;
	v3 =	vmul.f32 $8.000000000e+00, v8  }
0x14a: {  	[tilespmem:v5+s17+$0x0] =	vst.idx.msk $0xffff, v2  }
0x14b: {  	v54 =	vadd.s32 v18, v45;
	v52 =	vld [tilespmem:s24+$0x20];
	[tilespmem:v10+s17+$0x0] =	vst.idx.msk $0xffff, v3  }
0x14c: {  	v59 =	vmov v7;
	v7 =	vld [tilespmem:$0x1FFF0]  }
0x14d: {  	v55 =	vld [tilespmem:s24+$0x60]  }
0x14e: {  	v32 =	vmov v28;
	v28 =	vmov v63;
	v2 =	vmul.f32 $8.000000000e+00, v9;
	v63 =	vld [tilespmem:$0x1FEE0]  }
0x14f: {  	v36 =	vadd.s32 v23, v46;
	v48 =	vld [tilespmem:s24+$0xA0]  }
0x150: {  	v4 =	vadd.s32 v26, v43;
	v34 =	vld [tilespmem:s24+$0xF0];
	[tilespmem:v54+s17+$0x0] =	vst.idx.msk $0xffff, v2  }
0x151: {  	v5 =	vadd.s32 v31, v42;
	v49 =	vmov v7;
	v37 =	vadd.s32 v7, v38;
	v7 =	vld [tilespmem:$0x1FFD0]  }
0x152: {  	v41 =	vld [tilespmem:s24+$0xFFFFFF30];
	v3 =	vmul.f32 $8.000000000e+00, v52  }
0x153: {  	v9 =	vld [tilespmem:s24+$0xFFFFFFB0];
	v2 =	vmul.f32 $8.000000000e+00, v55;
	v0 =	vadd.s32 v63, v0  }
0x154: {  	v33 =	vld [tilespmem:s24+$0xFFFFFF70];
	[tilespmem:v36+s17+$0x0] =	vst.idx.msk $0xffff, v3;
	v3 =	vmul.f32 $8.000000000e+00, v48  }
0x155: {  	v51 =	vadd.s32 v59, v44;
	[tilespmem:v4+s17+$0x0] =	vst.idx.msk $0xffff, v2;
	v52 =	vld [tilespmem:s24+$0x30]  }
0x156: {  	v2 =	vmul.f32 $8.000000000e+00, v34;
	[tilespmem:v5+s17+$0x0] =	vst.idx.msk $0xffff, v3;
	v10 =	vadd.s32 v7, v47;
	v47 =	vld [tilespmem:s24+$0xFFFFFFF0]  }
0x157: {  	v4 =	vmul.f32 $8.000000000e+00, v41;
	v5 =	vadd.s32 v21, v46;
	v63 =	vld [tilespmem:s24+$0xB0]  }
0x158: {  	v55 =	vadd.s32 v27, v45;
	v59 =	vld [tilespmem:s24+$0x70];
	[tilespmem:v0+s17+$0x0] =	vst.idx.msk $0xffff, v2;
	v0 =	vmul.f32 $8.000000000e+00, v9  }
0x159: {  	v3 =	vmul.f32 $8.000000000e+00, v33;
	[tilespmem:v37+s17+$0x0] =	vst.idx.msk $0xffff, v4;
	v4 =	vadd.s32 v11, v42  }
0x15a: {  	v2 =	vadd.s32 v19, v43;
	[tilespmem:v51+s17+$0x0] =	vst.idx.msk $0xffff, v0;
	v0 =	vmul.f32 $8.000000000e+00, v52  }
0x15b: {  	[tilespmem:v10+s17+$0x0] =	vst.idx.msk $0xffff, v3;
	v3 =	vmul.f32 $8.000000000e+00, v47  }
0x15c: {  	s22 =	sshll.u32 s22, $0x12;
	[tilespmem:v5+s17+$0x0] =	vst.idx.msk $0xffff, v0;
	v0 =	vmul.f32 $8.000000000e+00, v63  }
0x15d: {  	s22 =	sor.u32 s4, s22;
	[tilespmem:v55+s17+$0x0] =	vst.idx.msk $0xffff, v3;
	v3 =	vmul.f32 $8.000000000e+00, v59  }
0x15e: {  	s22 =	sshrl.u32 s22, $0x3;
	[tilespmem:v4+s17+$0x0] =	vst.idx.msk $0xffff, v0  }
0x15f: {  	s25 =	simm.s32 $0xC600;
	s23 =	sadd.s32 s1, s22;
	[tilespmem:v2+s17+$0x0] =	vst.idx.msk $0xffff, v3  }
0x160: {  	[hbm4b:s23+s2] =	stream.linear.scatter [tilespmem:s25], [sflag:$0x4], $0x80, $0x38;
	[tilespmem:$0xE800] =	vst v63  }
0x161: {  	s26 =	simm.s32 $0xC688;
	s24 =	sadd.s32 $0x10, s23  }
0x162: {  	[hbm4b:s24+s2] =	stream.linear.scatter [tilespmem:s26], [sflag:$0x4], $0x80, $0x38;
	[tilespmem:$0xE800] =	vst v63  }
0x163: {  	s28 =	simm.s32 $0xC710;
	s30 =	simm.s32 $0xC798;
	s29 =	sadd.s32 $0x20, s23  }
0x164: {  	[hbm4b:s29+s2] =	stream.linear.scatter [tilespmem:s28], [sflag:$0x4], $0x80, $0x38;
	[tilespmem:$0xE800] =	vst v63  }
0x165: {  	s22 =	simm.s32 $0x440;
	s31 =	sadd.s32 $0x30, s23;
	s25 =	simm.s32 $0xC820  }
0x166: {  	[hbm4b:s31+s2] =	stream.linear.scatter [tilespmem:s30], [sflag:$0x4], $0x80, $0x38;
	[tilespmem:$0xE800] =	vst v63  }
0x167: {  	s26 =	sadd.s32 $0x40, s23;
	s24 =	simm.s32 $0x2200;
	s28 =	simm.s32 $0xC8A8  }
0x168: {  	[hbm4b:s26+s2] =	stream.linear.scatter [tilespmem:s25], [sflag:$0x4], $0x80, $0x38;
	[tilespmem:$0xE800] =	vst v63  }
0x169: {  	s29 =	sadd.s32 $0x50, s23;
	s30 =	simm.s32 $0xC930;
	s31 =	sadd.s32 $0x60, s23  }
0x16a: {  	v50 =	vmovc v31;
	v16 =	vmov v17;
	v56 =	vmov v13;
	v24 =	vmov v26;
	[hbm4b:s29+s2] =	stream.linear.scatter [tilespmem:s28], [sflag:$0x4], $0x80, $0x38;
	[tilespmem:$0xE800] =	vst v63  }
0x16b: {  	v61 =	vmovc v30;
	v60 =	vmovc v18;
	v62 =	vmov v22;
	v22 =	vmov v25;
	v17 =	vmov v23;
	s25 =	simm.s32 $0xC9B8;
	s26 =	sadd.s32 $0x70, s23;
	s23 =	sadd.s32 $0x1000, s23  }
0x16c: {  	v58 =	vmovc v6;
	v57 =	vmovc v14;
	v54 =	vmov v7;
	v5 =	vmov v15;
	v2 =	vmov v29;
	[hbm4b:s31+s2] =	stream.linear.scatter [tilespmem:s30], [sflag:$0x4], $0x80, $0x38;
	[tilespmem:$0xE800] =	vst v63  }
.LBB2_9:
0x16d: {  	[hbm4b:s26+s2] =	stream.linear.scatter [tilespmem:s25], [sflag:$0x4], $0x80, $0x38;
	[tilespmem:$0xE800] =	vst v63  }
0x16e: {  	s25 =	smov.u32 s22;
	s22 =	smov.u32 s24  }
0x16f: {  	s28 =	sadd.s32 $0x1100, s24;
	s22 =	sshra.s32 s22, $0x2;
	s26 =	sadd.s32 $0xC600, s25  }
0x170: {  	[hbm4b:s23+s2] =	stream.linear.scatter [tilespmem:s26], [sflag:$0x4], $0x80, $0x38;
	[tilespmem:$0xE800] =	vst v63  }
0x171: {  	p0 =	sne.s32 s24, $0x7700;
	s24 =	sadd.s32 $0xC688, s25;
	s26 =	sadd.s32 $0x10, s23  }
0x172: {  	[hbm4b:s26+s2] =	stream.linear.scatter [tilespmem:s24], [sflag:$0x4], $0x80, $0x38;
	[tilespmem:$0xE800] =	vst v63  }
0x173: {  	s24 =	sadd.s32 $0xC710, s25;
	s26 =	sadd.s32 $0x20, s23  }
0x174: {  	[hbm4b:s26+s2] =	stream.linear.scatter [tilespmem:s24], [sflag:$0x4], $0x80, $0x38;
	[tilespmem:$0xE800] =	vst v63  }
0x175: {  	s24 =	sadd.s32 $0xC798, s25;
	s26 =	sadd.s32 $0x30, s23  }
0x176: {  	[hbm4b:s26+s2] =	stream.linear.scatter [tilespmem:s24], [sflag:$0x4], $0x80, $0x38;
	[tilespmem:$0xE800] =	vst v63  }
0x177: {  	s24 =	sadd.s32 $0xC820, s25;
	s26 =	sadd.s32 $0x40, s23  }
0x178: {  	[hbm4b:s26+s2] =	stream.linear.scatter [tilespmem:s24], [sflag:$0x4], $0x80, $0x38;
	[tilespmem:$0xE800] =	vst v63  }
.Ltmp3:
0x179: {  	s24 =	sadd.s32 $0xC8A8, s25;
	s26 =	sadd.s32 $0x50, s23;
	(pc) =	sbr.rel @p0 .LBB2_9-.Ltmp3, $4  }
0x17a: {  	[hbm4b:s26+s2] =	stream.linear.scatter [tilespmem:s24], [sflag:$0x4], $0x80, $0x38;
	[tilespmem:$0xE800] =	vst v63  }
0x17b: {  	s24 =	sadd.s32 $0xC930, s25;
	s26 =	sadd.s32 $0x60, s23;
	s25 =	sadd.s32 $0xC9B8, s25  }
0x17c: {  	[hbm4b:s26+s2] =	stream.linear.scatter [tilespmem:s24], [sflag:$0x4], $0x80, $0x38;
	[tilespmem:$0xE800] =	vst v63  }
0x17d: {  	s26 =	sadd.s32 $0x70, s23;
	s23 =	sadd.s32 $0x1000, s23;
	s24 =	smov.u32 s28  }
0x17e: {  	[hbm4b:s26+s2] =	stream.linear.scatter [tilespmem:s25], [sflag:$0x4], $0x80, $0x38;
	[tilespmem:$0xE800] =	vst v63  }
0x17f: {  	s24 =	sadd.s32 $0xC600, s22  }
0x180: {  	[hbm4b:s23+s2] =	stream.linear.scatter [tilespmem:s24], [sflag:$0x4], $0x80, $0x38;
	[tilespmem:$0xE800] =	vst v63  }
0x181: {  	s30 =	sadd.s32 $0xC688, s22;
	s31 =	sadd.s32 $0x10, s23  }
0x182: {  	[hbm4b:s31+s2] =	stream.linear.scatter [tilespmem:s30], [sflag:$0x4], $0x80, $0x38;
	[tilespmem:$0xE800] =	vst v63  }
0x183: {  	s25 =	sadd.s32 $0xC710, s22;
	s26 =	sadd.s32 $0x20, s23  }
0x184: {  	[hbm4b:s26+s2] =	stream.linear.scatter [tilespmem:s25], [sflag:$0x4], $0x80, $0x38;
	[tilespmem:$0xE800] =	vst v63  }
0x185: {  	s28 =	sadd.s32 $0xC798, s22;
	s29 =	sadd.s32 $0x30, s23  }
0x186: {  	v8 =	vld [tilespmem:$0x1FF10];
	[hbm4b:s29+s2] =	stream.linear.scatter [tilespmem:s28], [sflag:$0x4], $0x80, $0x38  }
0x187: {  	s21 =	sadd.s32 $0x1, s21;
	v9 =	vld [tilespmem:$0x1FF20];
	s30 =	sadd.s32 $0xC820, s22;
	s31 =	sadd.s32 $0x40, s23  }
0x188: {  	v13 =	vld [tilespmem:$0x1FF30];
	[hbm4b:s31+s2] =	stream.linear.scatter [tilespmem:s30], [sflag:$0x4], $0x80, $0x38  }
0x189: {  	v3 =	vld [tilespmem:$0x1FEF0];
	p0 =	sne.s32 s21, $0x64;
	s25 =	sadd.s32 $0xC8A8, s22;
	s26 =	sadd.s32 $0x50, s23  }
0x18a: {  	v20 =	vld [tilespmem:$0x1FF40];
	[hbm4b:s26+s2] =	stream.linear.scatter [tilespmem:s25], [sflag:$0x4], $0x80, $0x38  }
.Ltmp4:
0x18b: {  	v23 =	vld [tilespmem:$0x1FF50];
	(pc) =	sbr.rel @p0 .LBB2_2-.Ltmp4, $4  }
0x18c: {  	v21 =	vld [tilespmem:$0x1FF00];
	s28 =	sadd.s32 $0xC930, s22;
	s29 =	sadd.s32 $0x60, s23  }
0x18d: {  	v63 =	vld [tilespmem:$0x1FF60];
	[hbm4b:s29+s2] =	stream.linear.scatter [tilespmem:s28], [sflag:$0x4], $0x80, $0x38  }
0x18e: {  	v7 =	vmovc v49;
	v11 =	vmovc v12;
	v10 =	vmov v53;
	v4 =	vmov v54;
	v14 =	vmov v56;
	v26 =	vld [tilespmem:$0x1FF70];
	s30 =	sadd.s32 $0xC9B8, s22;
	s31 =	sadd.s32 $0x70, s23  }
0x18f: {  	v12 =	vmovc v57;
	v18 =	vmovc v60;
	v30 =	vmov v32;
	v25 =	vmov v61;
	v0 =	vmov v50;
	v27 =	vld [tilespmem:$0x1FF80];
	[hbm4b:s31+s2] =	stream.linear.scatter [tilespmem:s30], [sflag:$0x4], $0x80, $0x38  }
0x190: {  	s20 =	sadd.s32 $0x1, s20  }
0x191: {  	_ =	swait.ge [sflag:s18], $0x2000;
	p0 =	sne.s32 s20, s7  }
.Ltmp5:
0x192: {  	[sflag:s18] =	ssyncset.done $0x0;
	(pc) =	sbr.rel @p0 .LBB2_1-.Ltmp5, $4  }
0x193: {  	[sflag:s18] =	ssyncadd.s32 $0xFFFFE000  }
0x194: {  	_ =	swait.ge [sflag:s19], $0x2000  }
0x195: {  	[sflag:s19] =	ssyncset.done $0x0  }
0x196: {  	[sflag:s19] =	ssyncadd.s32 $0xFFFFE000  }
0x197: {  	_ =	sfence.sel $0x180000  }
0x198: {  	[bflag:$0x0] =	sbarrier.arrive $0xFFFF  }
0x199: {  	p0 =	sne.s32 s3, $0x0;
	_ =	strace $0x90000047  }
0x19a: {  	s0 =	sadd.s32 @!p0 $0x100000, s0;
	[bflag:$0x2] =	sbarrier.arrive $0xFFFF  }
0x19b: {  	[sflag:s0] =	ssyncadd.tile.s32 @!p0 $0x1;
	_ =	shalt  }
.Lfunc_end2:
_tile_overlayer_lowered:
.L_overlay_start_2:
0x19c: {  	(tag) =	ssettag $0x2  }
0x19d: {  	s0 =	rddreg [dreg:$0x0];
	s2 =	stileid.u32  }
0x19e: {  	s1 =	rddreg [dreg:$0x1];
	p0 =	sne.s32 s2, $0x0  }
0x19f: {  	s3 =	rddreg [dreg:$0x2];
	[bflag:$0x3] =	sbarrier.arrive $0xFFFF;
	s2 =	simm.s32 @!p0 $0x1C05  }
0x1a0: {  	[timem:s3], [sflag:s2] =	dma.local @!p0 [hbm:s0], s1  }
0x1a1: {  	s0 =	simm.s32 @!p0 $0x5  }
0x1a2: {  	_ =	swait.ge @!p0 [sflag:s0], s1  }
0x1a3: {  	s1 =	ssub.s32 @!p0 $0x0, s1;
	[sflag:s0] =	ssyncset.done @!p0 $0x0  }
0x1a4: {  	[sflag:s0] =	ssyncadd.s32 @!p0 s1  }
0x1a5: {  	[bflag:$0x3] =	sbarrier.arrive $0xFFFF  }
0x1a6: {  	_ =	shalt  }

</sc_bundles>
